<compile_context>
chip_gen: v7x
topology: tpu7x:2x2x1
jax: 0.10.2.dev20260603
libtpu: 0.0.44.dev20260713+nightly
codegen_flags: <defaults>
</compile_context>

<pallas_src>
import math

import numpy as np
import jax
import jax.numpy as jnp
from jax import lax
from jax.experimental import pallas as pl
from jax.experimental.pallas import tpu as pltpu, tpu_sc as plsc

_RC = 5.0
_RS = np.linspace(0.5, 4.5, 8).astype(np.float32)
_ETAS = np.array([0.5, 1.0, 2.0], dtype=np.float32)
_NFP = 24
_NFPP = 32
_PACK = 4
_NATOMS = 10000
_NPAIRS = 320000

_NC, _NS = 2, 16
_NW = _NC * _NS
_ROWS_W = 10240
_P_PAD = _NW * _ROWS_W
_QROWS = _P_PAD // _PACK
_G = 1024
_NG = _ROWS_W // _G
_SUB = 128
_NSUB = _G // _SUB
_NATOMS_PAD = 10240
_AZ = _NATOMS_PAD // _NS


_SROWS = 640
_SCOLS = 512
_SB = 128
_FC_COEFFS = [1.0] + [0.5 * (-1.0) ** k / float(math.factorial(2 * k))
               for k in range(1, 9)]


def _scal_body(dxyz_ref, out_ref):
    dx = dxyz_ref[0]
    dy = dxyz_ref[1]
    dz = dxyz_ref[2]
    d2 = dx * dx + dy * dy + dz * dz
    dist = jnp.sqrt(d2 + 1e-12)
    u = d2 * np.float32((np.pi / _RC) ** 2)
    p = jnp.full_like(u, np.float32(_FC_COEFFS[-1]))
    for c in _FC_COEFFS[-2::-1]:
        p = p * u + np.float32(c)
    fc = jnp.where(d2 < np.float32(_RC * _RC), p, 0.0)
    logfc = jnp.where(fc > 0, jnp.log(fc), np.float32(-1e30))
    out_ref[0] = d2
    out_ref[1] = dist
    out_ref[2] = logfc


_scal_call = pl.pallas_call(
    _scal_body,
    grid=(_SROWS // _SB,),
    in_specs=[pl.BlockSpec((3, _SB, _SCOLS), lambda i: (0, i, 0))],
    out_specs=pl.BlockSpec((3, _SB, _SCOLS), lambda i: (0, i, 0)),
    out_shape=jax.ShapeDtypeStruct((3, _SROWS, _SCOLS), jnp.float32),
)


_QB = 4096


def _pair_body(a_ref, out_ref):
    a = a_ref[...]
    r = lax.broadcasted_iota(jnp.int32, (12, 128), 0)
    cc = lax.broadcasted_iota(jnp.int32, (12, 128), 1)
    i_r, j_r = r // 3, r % 3
    s_c, k_c = cc // _NFPP, cc % _NFPP
    eta = 0.5 * jnp.exp2((k_c // len(_RS)).astype(jnp.float32))
    rs = 0.5 + (k_c % len(_RS)).astype(jnp.float32) * np.float32(4.0 / 7.0)
    coeff = jnp.where(j_r == 0, -eta,
                      jnp.where(j_r == 1, 2.0 * eta * rs, 1.0))
    cmat = jnp.where((i_r == s_c) & (k_c < _NFP), coeff, 0.0)
    kc0 = lax.broadcasted_iota(jnp.int32, (1, 128), 1) % _NFPP
    eta0 = 0.5 * jnp.exp2((kc0 // len(_RS)).astype(jnp.float32))
    rs0 = 0.5 + (kc0 % len(_RS)).astype(jnp.float32) * np.float32(4.0 / 7.0)
    c0 = jnp.where(kc0 < _NFP, -eta0 * rs0 * rs0, np.float32(-1e30))
    z = lax.dot_general(a, cmat, (((0,), (0,)), ((), ())),
                        preferred_element_type=jnp.float32,
                        precision=lax.Precision.HIGHEST) + c0
    out_ref[...] = jnp.exp(z)


_pair_call = pl.pallas_call(
    _pair_body,
    grid=(_QROWS // _QB,),
    in_specs=[pl.BlockSpec((12, _QB), lambda i: (0, i))],
    out_specs=pl.BlockSpec((_QB, 128), lambda i: (i, 0)),
    out_shape=jax.ShapeDtypeStruct((_QROWS, 128), jnp.float32),
)


def _sc_body(sbf_hbm, idx_hbm, zeros_hbm, out_hbm, idx_v, bufa, bufb, acc_sh,
             gsem_a, gsem_b, ssem):
    cid = lax.axis_index("c")
    sid = lax.axis_index("s")
    wid = cid * _NS + sid
    base = wid * _ROWS_W
    pltpu.sync_copy(zeros_hbm.at[pl.ds(sid * _AZ, _AZ)],
                    acc_sh.at[pl.ds(sid * _AZ, _AZ)])
    pltpu.sync_copy(idx_hbm.at[wid], idx_v)
    plsc.subcore_barrier()

    def gather(g, buf, sem):
        pltpu.async_copy(sbf_hbm.at[pl.ds(base + g * _G, _G)], buf, sem)

    def wait(buf, sem):
        pltpu.make_async_copy(sbf_hbm.at[pl.ds(0, _G)], buf, sem).wait()

    def scatter_chunk(g, buf):
        for j in range(_NSUB):
            pltpu.async_copy(buf.at[pl.ds(j * _SUB, _SUB)],
                             acc_sh.at[idx_v.at[g * _NSUB + j]],
                             ssem, add=True)
        wait(buf, ssem)

    gather(0, bufa, gsem_a)
    gather(1, bufb, gsem_b)

    def g_body(i, carry):
        g = 2 * i
        wait(bufa, gsem_a)
        scatter_chunk(g, bufa)

        @pl.when(g + 2 < _NG)
        def _():
            gather(g + 2, bufa, gsem_a)

        wait(bufb, gsem_b)
        scatter_chunk(g + 1, bufb)

        @pl.when(g + 3 < _NG)
        def _():
            gather(g + 3, bufb, gsem_b)

        return carry

    lax.fori_loop(0, _NG // 2, g_body, 0)
    plsc.subcore_barrier()
    pltpu.sync_copy(acc_sh.at[pl.ds(sid * _AZ, _AZ)],
                    out_hbm.at[cid, pl.ds(sid * _AZ, _AZ)])


_sc_call_cache = []


def _get_sc_call():
    if not _sc_call_cache:
        _sc_call_cache.append(pl.kernel(
            _sc_body,
            out_type=jax.ShapeDtypeStruct((_NC, _NATOMS_PAD, _NFPP),
                                          jnp.float32),
            mesh=plsc.VectorSubcoreMesh(core_axis_name="c",
                                        subcore_axis_name="s",
                                        num_cores=_NC, num_subcores=_NS),
            scratch_types=[
                pltpu.VMEM((_NG * _NSUB, _SUB), jnp.int32),
                pltpu.VMEM((_G, _NFPP), jnp.float32),
                pltpu.VMEM((_G, _NFPP), jnp.float32),
                pltpu.VMEM_SHARED((_NATOMS_PAD, _NFPP), jnp.float32),
                pltpu.SemaphoreType.DMA,
                pltpu.SemaphoreType.DMA,
                pltpu.SemaphoreType.DMA,
            ],
            compiler_params=pltpu.CompilerParams(use_tc_tiling_on_sc=False),
        ))
    return _sc_call_cache[0]


_AB = 1000


def _mlp_body(fpp0_ref, fpp1_ref, e_ref,
              w00, w01, b00, b01, w10, w11, b10, b11,
              w20, w21, b20, b21, wo0, wo1, out_ref):
    def dot(x, w):
        return jnp.dot(x, w[...], preferred_element_type=jnp.float32)

    fp = (fpp0_ref[0] + fpp1_ref[0]) * np.float32(0.2) - 1.0
    fp24 = fp[:, :_NFP]
    ha = jnp.tanh(dot(fp24, w00) + b00[...])
    hb = jnp.tanh(dot(fp24, w01) + b01[...])
    ha = jnp.tanh(dot(ha, w10) + b10[...])
    hb = jnp.tanh(dot(hb, w11) + b11[...])
    ha = jnp.tanh(dot(ha, w20) + b20[...])
    hb = jnp.tanh(dot(hb, w21) + b21[...])
    y0 = dot(ha, wo0)
    y1 = dot(hb, wo1)
    out_ref[...] = jnp.where(e_ref[...] >= 1, y1, y0)


def _wspec(shape):
    return pl.BlockSpec(shape, lambda i: tuple(0 for _ in shape))


_mlp_call = pl.pallas_call(
    _mlp_body,
    grid=(_NATOMS // _AB,),
    in_specs=[
        pl.BlockSpec((1, _AB, _NFPP), lambda i: (0, i, 0)),
        pl.BlockSpec((1, _AB, _NFPP), lambda i: (1, i, 0)),
        pl.BlockSpec((_AB, 1), lambda i: (i, 0)),
        _wspec((_NFP, 128)), _wspec((_NFP, 128)),
        _wspec((1, 128)), _wspec((1, 128)),
        _wspec((128, 128)), _wspec((128, 128)),
        _wspec((1, 128)), _wspec((1, 128)),
        _wspec((128, 128)), _wspec((128, 128)),
        _wspec((1, 128)), _wspec((1, 128)),
        _wspec((128, 1)), _wspec((128, 1)),
    ],
    out_specs=pl.BlockSpec((_AB, 1), lambda i: (i, 0)),
    out_shape=jax.ShapeDtypeStruct((_NATOMS, 1), jnp.float32),
)


def kernel(diff, ind_2, elems,
           W0_0, b0_0, W1_0, b1_0, W2_0, b2_0, Wo_0,
           W0_1, b0_1, W1_1, b1_1, W2_1, b2_1, Wo_1):
    npad = _P_PAD - _NPAIRS
    diff_pad = jnp.concatenate(
        [diff, jnp.full((npad, 3), 100.0, jnp.float32)], axis=0)
    dxyz = diff_pad.T.reshape(3, _SROWS, _SCOLS)
    scal = _scal_call(dxyz)
    a12 = scal.reshape(3, _PACK, _QROWS).transpose(1, 0, 2).reshape(12, _QROWS)
    sbf = _pair_call(a12).reshape(_P_PAD, _NFPP)

    pad_idx = _NATOMS + jnp.arange(npad, dtype=jnp.int32) % (_NATOMS_PAD - _NATOMS)
    idx = (jnp.concatenate([ind_2[:, 0], pad_idx])
           .reshape(_PACK, _QROWS).transpose(1, 0)
           .reshape(_NW, _NG * _NSUB, _SUB))
    zeros = jnp.zeros((_NATOMS_PAD, _NFPP), jnp.float32)
    fp_parts = _get_sc_call()(sbf, idx, zeros)

    e = elems.reshape(_NATOMS, 1)
    return _mlp_call(
        fp_parts, fp_parts, e,
        W0_0, W0_1, b0_0.reshape(1, 128), b0_1.reshape(1, 128),
        W1_0, W1_1, b1_0.reshape(1, 128), b1_1.reshape(1, 128),
        W2_0, W2_1, b2_0.reshape(1, 128), b2_1.reshape(1, 128),
        Wo_0, Wo_1)

# --- scband reference (transcript-rebuilt; emitter-appended) ---
"""Pipeline reference for scband-bpnn-7919919693925 (READ-ONLY COPY).

The authoritative reference and input builder live on the scoring server;
editing this copy changes nothing except your own understanding.
"""

import jax, jax.numpy as jnp
import numpy as np

N_ATOMS = 10000
N_PAIRS = 320000
RC = 5.0
RS = np.linspace(0.5, 4.5, 8).astype(np.float32)
ETAS = np.array([0.5, 1.0, 2.0], dtype=np.float32)
FP_MIN = 0.0
FP_MAX = 10.0
LAYERS = [128, 128, 128]
N_FP = len(ETAS) * len(RS)

PARAM_NAMES = []
for _e in range(2):
    for _li in range(len(LAYERS)):
        PARAM_NAMES += ['W%d_%d' % (_li, _e), 'b%d_%d' % (_li, _e)]
    PARAM_NAMES.append('Wo_%d' % _e)


def setup_inputs(seed=0):
    key = jax.random.key(seed)
    ks = jax.random.split(key, 32)
    inp = {}
    inp['diff'] = jax.random.normal(ks[0], (N_PAIRS, 3), dtype=jnp.float32) * 1.5
    inp['ind_2'] = jax.random.randint(ks[1], (N_PAIRS, 2), 0, N_ATOMS, dtype=jnp.int32)
    inp['elems'] = jax.random.randint(ks[2], (N_ATOMS,), 0, 2, dtype=jnp.int32)
    ki = 3
    for e in range(2):
        d_in = N_FP
        for li, units in enumerate(LAYERS):
            inp['W%d_%d' % (li, e)] = jax.random.normal(ks[ki], (d_in, units), dtype=jnp.float32) / np.sqrt(d_in)
            ki += 1
            inp['b%d_%d' % (li, e)] = jnp.zeros((units,), jnp.float32)
            d_in = units
        inp['Wo_%d' % e] = jax.random.normal(ks[ki], (d_in, 1), dtype=jnp.float32) / np.sqrt(d_in)
        ki += 1
    return inp


def _forward(diff, ind_2, elems, params):
    # connect_dist_grad: dist recomputed from diff so grads flow to diff
    dist = jnp.sqrt(jnp.sum(diff * diff, axis=1) + 1e-12)
    # CutoffFunc f1: 0.5*(cos(pi*r/rc)+1) for r < rc
    fc = jnp.where(dist < RC, 0.5 * (jnp.cos(np.pi * dist / RC) + 1.0), 0.0)
    fps = []
    for eta in ETAS:
        # G2 symmetry function: sum_j exp(-eta*(r_ij - Rs)^2) * fc(r_ij)
        sbf = jnp.exp(-eta * (dist[:, None] - RS[None, :]) ** 2) * fc[:, None]
        fp = jax.ops.segment_sum(sbf, ind_2[:, 0], num_segments=N_ATOMS)
        # BPFingerprint fp_scale: map to [-1, 1] using fp_range
        fp = (fp - FP_MIN) / max(FP_MAX - FP_MIN, 1e-6) * 2.0 - 1.0
        fps.append(fp)
    fp = jnp.concatenate(fps, axis=-1)
    # BPFeedForward: element-specific MLPs, recombined per atom
    out = jnp.zeros((N_ATOMS, 1), jnp.float32)
    for e in range(2):
        h = fp
        for li in range(len(LAYERS)):
            h = jnp.tanh(h @ params['W%d_%d' % (li, e)] + params['b%d_%d' % (li, e)])
        y = h @ params['Wo_%d' % e]
        out = out + y * (elems == e)[:, None].astype(y.dtype)
    return out


def reference(diff, ind_2, elems,
              W0_0, b0_0, W1_0, b1_0, W2_0, b2_0, Wo_0,
              W0_1, b0_1, W1_1, b1_1, W2_1, b2_1, Wo_1):
    params = {
        'W0_0': W0_0, 'b0_0': b0_0, 'W1_0': W1_0, 'b1_0': b1_0,
        'W2_0': W2_0, 'b2_0': b2_0, 'Wo_0': Wo_0,
        'W0_1': W0_1, 'b0_1': b0_1, 'W1_1': W1_1, 'b1_1': b1_1,
        'W2_1': W2_1, 'b2_1': b2_1, 'Wo_1': Wo_1,
    }
    return _forward(diff, ind_2, elems, params)

if __name__ == "__main__":
    import jax
    _d = setup_inputs()
    print(jax.jit(kernel)(*tuple(_d.values())))

</pallas_src>

<mosaic_0001>
#map = affine_map<(d0, d1) -> (0, 0)>
#map1 = affine_map<(d0, d1) -> (0, 0, 0)>
module attributes {stable_mosaic.version = 14 : i64} {
  func.func @_sc_body(%arg0: i32, %arg1: i32, %arg2: memref<327680x32xf32, #tpu.memory_space<hbm>>, %arg3: memref<32x80x128xi32, #tpu.memory_space<hbm>>, %arg4: memref<10240x32xf32, #tpu.memory_space<hbm>>, %arg5: memref<2x10240x32xf32, #tpu.memory_space<hbm>>, %arg6: memref<80x128xi32, #tpu.memory_space<vmem>>, %arg7: memref<1024x32xf32, #tpu.memory_space<vmem>>, %arg8: memref<1024x32xf32, #tpu.memory_space<vmem>>, %arg9: memref<10240x32xf32, #tpu.memory_space<vmem_shared>>, %arg10: memref<!tpu.dma_semaphore, #tpu.memory_space<semaphore_mem>>, %arg11: memref<!tpu.dma_semaphore, #tpu.memory_space<semaphore_mem>>, %arg12: memref<!tpu.dma_semaphore, #tpu.memory_space<semaphore_mem>>) attributes {dimension_semantics = [#tpu.dimension_semantics<core_parallel>, #tpu.dimension_semantics<subcore_parallel>], iteration_bounds = array<i64: 2, 16>, scalar_prefetch = 0 : i64, scratch_operands = 7 : i64, tpu.core_type = #tpu.core_type<sc_vector_subcore>, window_params = [{transform_indices = #map}, {transform_indices = #map1}, {transform_indices = #map}, {transform_indices = #map1}]} {
    %mul3A = arith.constant 16 : i32
    %mul3A_0 = arith.muli %arg0, %mul3A : i32
    %add3A = arith.addi %mul3A_0, %arg1 : i32
    %mul3A_1 = arith.constant 10240 : i32
    %mul3A_2 = arith.muli %add3A, %mul3A_1 : i32
    %mul3A_3 = arith.constant 640 : i32
    %mul3A_4 = arith.muli %arg1, %mul3A_3 : i32
    %mul3A_5 = arith.constant 640 : i32
    %mul3A_6 = arith.muli %arg1, %mul3A_5 : i32
    "tpu.region"() ({
      %run_scoped3A = tpu.sem_alloc : memref<!tpu.dma_semaphore, #tpu.memory_space<semaphore_mem>>
      %dma_start3A_28 = arith.constant 0 : i32
      %dma_start3A_29 = tpu.memref_slice %arg9[%mul3A_6, %dma_start3A_28] : memref<10240x32xf32, #tpu.memory_space<vmem_shared>> -> memref<640x32xf32, #tpu.memory_space<vmem_shared>>
      %dma_start3A_30 = arith.constant 0 : i32
      %dma_start3A_31 = tpu.memref_slice %arg4[%mul3A_4, %dma_start3A_30] : memref<10240x32xf32, #tpu.memory_space<hbm>> -> memref<640x32xf32, #tpu.memory_space<hbm>>
      tpu.enqueue_dma source(%dma_start3A_31 : memref<640x32xf32, #tpu.memory_space<hbm>>) target(%dma_start3A_29 : memref<640x32xf32, #tpu.memory_space<vmem_shared>>) target_semaphore(%run_scoped3A : memref<!tpu.dma_semaphore, #tpu.memory_space<semaphore_mem>>)
      %dma_wait3A = arith.constant 0 : i32
      %dma_wait3A_32 = tpu.memref_slice %arg9[%mul3A_6, %dma_wait3A] : memref<10240x32xf32, #tpu.memory_space<vmem_shared>> -> memref<640x32xf32, #tpu.memory_space<vmem_shared>>
      %dma_wait3A_33 = arith.constant 0 : i32
      %dma_wait3A_34 = tpu.memref_slice %arg4[%mul3A_4, %dma_wait3A_33] : memref<10240x32xf32, #tpu.memory_space<hbm>> -> memref<640x32xf32, #tpu.memory_space<hbm>>
      tpu.wait_dma2 semaphore(%run_scoped3A : memref<!tpu.dma_semaphore, #tpu.memory_space<semaphore_mem>>) src(%dma_wait3A_34 : memref<640x32xf32, #tpu.memory_space<hbm>>) dst(%dma_wait3A_32 : memref<640x32xf32, #tpu.memory_space<vmem_shared>>)
      tpu.yield
    }) : () -> ()
    "tpu.region"() ({
      %run_scoped3A = tpu.sem_alloc : memref<!tpu.dma_semaphore, #tpu.memory_space<semaphore_mem>>
      %dma_start3A_28 = arith.constant 0 : i32
      %dma_start3A_29 = arith.constant 0 : i32
      %dma_start3A_30 = tpu.memref_slice %arg3[%add3A, %dma_start3A_28, %dma_start3A_29] : memref<32x80x128xi32, #tpu.memory_space<hbm>> -> memref<1x80x128xi32, #tpu.memory_space<hbm>>
      %dma_start3A_31 = tpu.memref_squeeze %dma_start3A_30 : memref<1x80x128xi32, #tpu.memory_space<hbm>> -> memref<80x128xi32, #tpu.memory_space<hbm>>
      %dma_start3A_32 = arith.constant 0 : i32
      %dma_start3A_33 = arith.constant 0 : i32
      %dma_start3A_34 = tpu.memref_slice %arg3[%add3A, %dma_start3A_32, %dma_start3A_33] : memref<32x80x128xi32, #tpu.memory_space<hbm>> -> memref<1x80x128xi32, #tpu.memory_space<hbm>>
      %dma_start3A_35 = tpu.memref_squeeze %dma_start3A_34 : memref<1x80x128xi32, #tpu.memory_space<hbm>> -> memref<80x128xi32, #tpu.memory_space<hbm>>
      tpu.enqueue_dma source(%dma_start3A_35 : memref<80x128xi32, #tpu.memory_space<hbm>>) target(%arg6 : memref<80x128xi32, #tpu.memory_space<vmem>>) target_semaphore(%run_scoped3A : memref<!tpu.dma_semaphore, #tpu.memory_space<semaphore_mem>>)
      %dma_wait3A = arith.constant 0 : i32
      %dma_wait3A_36 = arith.constant 0 : i32
      %dma_wait3A_37 = tpu.memref_slice %arg3[%add3A, %dma_wait3A, %dma_wait3A_36] : memref<32x80x128xi32, #tpu.memory_space<hbm>> -> memref<1x80x128xi32, #tpu.memory_space<hbm>>
      %dma_wait3A_38 = tpu.memref_squeeze %dma_wait3A_37 : memref<1x80x128xi32, #tpu.memory_space<hbm>> -> memref<80x128xi32, #tpu.memory_space<hbm>>
      %dma_wait3A_39 = arith.constant 0 : i32
      %dma_wait3A_40 = arith.constant 0 : i32
      %dma_wait3A_41 = tpu.memref_slice %arg3[%add3A, %dma_wait3A_39, %dma_wait3A_40] : memref<32x80x128xi32, #tpu.memory_space<hbm>> -> memref<1x80x128xi32, #tpu.memory_space<hbm>>
      %dma_wait3A_42 = tpu.memref_squeeze %dma_wait3A_41 : memref<1x80x128xi32, #tpu.memory_space<hbm>> -> memref<80x128xi32, #tpu.memory_space<hbm>>
      tpu.wait_dma2 semaphore(%run_scoped3A : memref<!tpu.dma_semaphore, #tpu.memory_space<semaphore_mem>>) src(%dma_wait3A_42 : memref<80x128xi32, #tpu.memory_space<hbm>>) dst(%arg6 : memref<80x128xi32, #tpu.memory_space<vmem>>)
      tpu.yield
    }) : () -> ()
    %barrier3A = arith.constant 0 : index
    tpu.barrier barrier_id(%barrier3A)
    %add3A_7 = arith.constant 0 : i32
    %add3A_8 = arith.addi %mul3A_2, %add3A_7 : i32
    %dma_start3A = arith.constant 0 : i32
    %dma_start3A_9 = tpu.memref_slice %arg2[%add3A_8, %dma_start3A] : memref<327680x32xf32, #tpu.memory_space<hbm>> -> memref<1024x32xf32, #tpu.memory_space<hbm>>
    %dma_start3A_10 = arith.constant 0 : i32
    %dma_start3A_11 = tpu.memref_slice %arg2[%add3A_8, %dma_start3A_10] : memref<327680x32xf32, #tpu.memory_space<hbm>> -> memref<1024x32xf32, #tpu.memory_space<hbm>>
    tpu.enqueue_dma source(%dma_start3A_11 : memref<1024x32xf32, #tpu.memory_space<hbm>>) target(%arg7 : memref<1024x32xf32, #tpu.memory_space<vmem>>) target_semaphore(%arg10 : memref<!tpu.dma_semaphore, #tpu.memory_space<semaphore_mem>>)
    %add3A_12 = arith.constant 1024 : i32
    %add3A_13 = arith.addi %mul3A_2, %add3A_12 : i32
    %dma_start3A_14 = arith.constant 0 : i32
    %dma_start3A_15 = tpu.memref_slice %arg2[%add3A_13, %dma_start3A_14] : memref<327680x32xf32, #tpu.memory_space<hbm>> -> memref<1024x32xf32, #tpu.memory_space<hbm>>
    %dma_start3A_16 = arith.constant 0 : i32
    %dma_start3A_17 = tpu.memref_slice %arg2[%add3A_13, %dma_start3A_16] : memref<327680x32xf32, #tpu.memory_space<hbm>> -> memref<1024x32xf32, #tpu.memory_space<hbm>>
    tpu.enqueue_dma source(%dma_start3A_17 : memref<1024x32xf32, #tpu.memory_space<hbm>>) target(%arg8 : memref<1024x32xf32, #tpu.memory_space<vmem>>) target_semaphore(%arg11 : memref<!tpu.dma_semaphore, #tpu.memory_space<semaphore_mem>>)
    %scan3A = arith.constant 0 : i32
    %scan3A_18 = arith.constant 0 : i32
    %scan3A_19 = arith.constant 5 : i32
    %scan3A_20 = arith.addi %scan3A_18, %scan3A_19 : i32
    %scan3A_21 = arith.constant 1 : i32
    scf.for %scan3A_28 = %scan3A_18 to %scan3A_20 step %scan3A_21  : i32 {
      %mul3A_29 = arith.constant 2 : i32
      %mul3A_30 = arith.muli %mul3A_29, %scan3A_28 : i32
      %dma_wait3A = arith.constant 0 : i32
      %dma_wait3A_31 = arith.constant 0 : i32
      %dma_wait3A_32 = tpu.memref_slice %arg2[%dma_wait3A, %dma_wait3A_31] : memref<327680x32xf32, #tpu.memory_space<hbm>> -> memref<1024x32xf32, #tpu.memory_space<hbm>>
      %dma_wait3A_33 = arith.constant 0 : i32
      %dma_wait3A_34 = arith.constant 0 : i32
      %dma_wait3A_35 = tpu.memref_slice %arg2[%dma_wait3A_33, %dma_wait3A_34] : memref<327680x32xf32, #tpu.memory_space<hbm>> -> memref<1024x32xf32, #tpu.memory_space<hbm>>
      tpu.wait_dma2 semaphore(%arg10 : memref<!tpu.dma_semaphore, #tpu.memory_space<semaphore_mem>>) src(%dma_wait3A_35 : memref<1024x32xf32, #tpu.memory_space<hbm>>) dst(%arg7 : memref<1024x32xf32, #tpu.memory_space<vmem>>)
      %mul3A_36 = arith.constant 8 : i32
      %mul3A_37 = arith.muli %mul3A_30, %mul3A_36 : i32
      %add3A_38 = arith.constant 0 : i32
      %add3A_39 = arith.addi %mul3A_37, %add3A_38 : i32
      %dma_start3A_40 = arith.constant 0 : i32
      %dma_start3A_41 = arith.constant 0 : i32
      %dma_start3A_42 = tpu.memref_slice %arg7[%dma_start3A_40, %dma_start3A_41] : memref<1024x32xf32, #tpu.memory_space<vmem>> -> memref<128x32xf32, #tpu.memory_space<vmem>>
      %dma_start3A_43 = arith.constant 0 : i32
      %dma_start3A_44 = tpu.memref_slice %arg6[%add3A_39, %dma_start3A_43] : memref<80x128xi32, #tpu.memory_space<vmem>> -> memref<1x128xi32, #tpu.memory_space<vmem>>
      %dma_start3A_45 = tpu.memref_squeeze %dma_start3A_44 : memref<1x128xi32, #tpu.memory_space<vmem>> -> memref<128xi32, #tpu.memory_space<vmem>>
      %dma_start3A_46 = arith.constant 0 : i32
      %dma_start3A_47 = arith.constant 0 : i32
      %dma_start3A_48 = tpu.memref_slice %arg9[%dma_start3A_46, %dma_start3A_47] : memref<10240x32xf32, #tpu.memory_space<vmem_shared>> -> memref<10240x32xf32, #tpu.memory_space<vmem_shared>>
      tpu.enqueue_indirect_dma source(%dma_start3A_42 : memref<128x32xf32, #tpu.memory_space<vmem>>) target(%dma_start3A_48 : memref<10240x32xf32, #tpu.memory_space<vmem_shared>>) offsets(%dma_start3A_45 : memref<128xi32, #tpu.memory_space<vmem>>) semaphore(%arg12 : memref<!tpu.dma_semaphore, #tpu.memory_space<semaphore_mem>>) {add = true}
      %mul3A_49 = arith.constant 8 : i32
      %mul3A_50 = arith.muli %mul3A_30, %mul3A_49 : i32
      %add3A_51 = arith.constant 1 : i32
      %add3A_52 = arith.addi %mul3A_50, %add3A_51 : i32
      %dma_start3A_53 = arith.constant 128 : i32
      %dma_start3A_54 = arith.constant 0 : i32
      %dma_start3A_55 = tpu.memref_slice %arg7[%dma_start3A_53, %dma_start3A_54] : memref<1024x32xf32, #tpu.memory_space<vmem>> -> memref<128x32xf32, #tpu.memory_space<vmem>>
      %dma_start3A_56 = arith.constant 0 : i32
      %dma_start3A_57 = tpu.memref_slice %arg6[%add3A_52, %dma_start3A_56] : memref<80x128xi32, #tpu.memory_space<vmem>> -> memref<1x128xi32, #tpu.memory_space<vmem>>
      %dma_start3A_58 = tpu.memref_squeeze %dma_start3A_57 : memref<1x128xi32, #tpu.memory_space<vmem>> -> memref<128xi32, #tpu.memory_space<vmem>>
      %dma_start3A_59 = arith.constant 0 : i32
      %dma_start3A_60 = arith.constant 0 : i32
      %dma_start3A_61 = tpu.memref_slice %arg9[%dma_start3A_59, %dma_start3A_60] : memref<10240x32xf32, #tpu.memory_space<vmem_shared>> -> memref<10240x32xf32, #tpu.memory_space<vmem_shared>>
      tpu.enqueue_indirect_dma source(%dma_start3A_55 : memref<128x32xf32, #tpu.memory_space<vmem>>) target(%dma_start3A_61 : memref<10240x32xf32, #tpu.memory_space<vmem_shared>>) offsets(%dma_start3A_58 : memref<128xi32, #tpu.memory_space<vmem>>) semaphore(%arg12 : memref<!tpu.dma_semaphore, #tpu.memory_space<semaphore_mem>>) {add = true}
      %mul3A_62 = arith.constant 8 : i32
      %mul3A_63 = arith.muli %mul3A_30, %mul3A_62 : i32
      %add3A_64 = arith.constant 2 : i32
      %add3A_65 = arith.addi %mul3A_63, %add3A_64 : i32
      %dma_start3A_66 = arith.constant 256 : i32
      %dma_start3A_67 = arith.constant 0 : i32
      %dma_start3A_68 = tpu.memref_slice %arg7[%dma_start3A_66, %dma_start3A_67] : memref<1024x32xf32, #tpu.memory_space<vmem>> -> memref<128x32xf32, #tpu.memory_space<vmem>>
      %dma_start3A_69 = arith.constant 0 : i32
      %dma_start3A_70 = tpu.memref_slice %arg6[%add3A_65, %dma_start3A_69] : memref<80x128xi32, #tpu.memory_space<vmem>> -> memref<1x128xi32, #tpu.memory_space<vmem>>
      %dma_start3A_71 = tpu.memref_squeeze %dma_start3A_70 : memref<1x128xi32, #tpu.memory_space<vmem>> -> memref<128xi32, #tpu.memory_space<vmem>>
      %dma_start3A_72 = arith.constant 0 : i32
      %dma_start3A_73 = arith.constant 0 : i32
      %dma_start3A_74 = tpu.memref_slice %arg9[%dma_start3A_72, %dma_start3A_73] : memref<10240x32xf32, #tpu.memory_space<vmem_shared>> -> memref<10240x32xf32, #tpu.memory_space<vmem_shared>>
      tpu.enqueue_indirect_dma source(%dma_start3A_68 : memref<128x32xf32, #tpu.memory_space<vmem>>) target(%dma_start3A_74 : memref<10240x32xf32, #tpu.memory_space<vmem_shared>>) offsets(%dma_start3A_71 : memref<128xi32, #tpu.memory_space<vmem>>) semaphore(%arg12 : memref<!tpu.dma_semaphore, #tpu.memory_space<semaphore_mem>>) {add = true}
      %mul3A_75 = arith.constant 8 : i32
      %mul3A_76 = arith.muli %mul3A_30, %mul3A_75 : i32
      %add3A_77 = arith.constant 3 : i32
      %add3A_78 = arith.addi %mul3A_76, %add3A_77 : i32
      %dma_start3A_79 = arith.constant 384 : i32
      %dma_start3A_80 = arith.constant 0 : i32
      %dma_start3A_81 = tpu.memref_slice %arg7[%dma_start3A_79, %dma_start3A_80] : memref<1024x32xf32, #tpu.memory_space<vmem>> -> memref<128x32xf32, #tpu.memory_space<vmem>>
      %dma_start3A_82 = arith.constant 0 : i32
      %dma_start3A_83 = tpu.memref_slice %arg6[%add3A_78, %dma_start3A_82] : memref<80x128xi32, #tpu.memory_space<vmem>> -> memref<1x128xi32, #tpu.memory_space<vmem>>
      %dma_start3A_84 = tpu.memref_squeeze %dma_start3A_83 : memref<1x128xi32, #tpu.memory_space<vmem>> -> memref<128xi32, #tpu.memory_space<vmem>>
      %dma_start3A_85 = arith.constant 0 : i32
      %dma_start3A_86 = arith.constant 0 : i32
      %dma_start3A_87 = tpu.memref_slice %arg9[%dma_start3A_85, %dma_start3A_86] : memref<10240x32xf32, #tpu.memory_space<vmem_shared>> -> memref<10240x32xf32, #tpu.memory_space<vmem_shared>>
      tpu.enqueue_indirect_dma source(%dma_start3A_81 : memref<128x32xf32, #tpu.memory_space<vmem>>) target(%dma_start3A_87 : memref<10240x32xf32, #tpu.memory_space<vmem_shared>>) offsets(%dma_start3A_84 : memref<128xi32, #tpu.memory_space<vmem>>) semaphore(%arg12 : memref<!tpu.dma_semaphore, #tpu.memory_space<semaphore_mem>>) {add = true}
      %mul3A_88 = arith.constant 8 : i32
      %mul3A_89 = arith.muli %mul3A_30, %mul3A_88 : i32
      %add3A_90 = arith.constant 4 : i32
      %add3A_91 = arith.addi %mul3A_89, %add3A_90 : i32
      %dma_start3A_92 = arith.constant 512 : i32
      %dma_start3A_93 = arith.constant 0 : i32
      %dma_start3A_94 = tpu.memref_slice %arg7[%dma_start3A_92, %dma_start3A_93] : memref<1024x32xf32, #tpu.memory_space<vmem>> -> memref<128x32xf32, #tpu.memory_space<vmem>>
      %dma_start3A_95 = arith.constant 0 : i32
      %dma_start3A_96 = tpu.memref_slice %arg6[%add3A_91, %dma_start3A_95] : memref<80x128xi32, #tpu.memory_space<vmem>> -> memref<1x128xi32, #tpu.memory_space<vmem>>
      %dma_start3A_97 = tpu.memref_squeeze %dma_start3A_96 : memref<1x128xi32, #tpu.memory_space<vmem>> -> memref<128xi32, #tpu.memory_space<vmem>>
      %dma_start3A_98 = arith.constant 0 : i32
      %dma_start3A_99 = arith.constant 0 : i32
      %dma_start3A_100 = tpu.memref_slice %arg9[%dma_start3A_98, %dma_start3A_99] : memref<10240x32xf32, #tpu.memory_space<vmem_shared>> -> memref<10240x32xf32, #tpu.memory_space<vmem_shared>>
      tpu.enqueue_indirect_dma source(%dma_start3A_94 : memref<128x32xf32, #tpu.memory_space<vmem>>) target(%dma_start3A_100 : memref<10240x32xf32, #tpu.memory_space<vmem_shared>>) offsets(%dma_start3A_97 : memref<128xi32, #tpu.memory_space<vmem>>) semaphore(%arg12 : memref<!tpu.dma_semaphore, #tpu.memory_space<semaphore_mem>>) {add = true}
      %mul3A_101 = arith.constant 8 : i32
      %mul3A_102 = arith.muli %mul3A_30, %mul3A_101 : i32
      %add3A_103 = arith.constant 5 : i32
      %add3A_104 = arith.addi %mul3A_102, %add3A_103 : i32
      %dma_start3A_105 = arith.constant 640 : i32
      %dma_start3A_106 = arith.constant 0 : i32
      %dma_start3A_107 = tpu.memref_slice %arg7[%dma_start3A_105, %dma_start3A_106] : memref<1024x32xf32, #tpu.memory_space<vmem>> -> memref<128x32xf32, #tpu.memory_space<vmem>>
      %dma_start3A_108 = arith.constant 0 : i32
      %dma_start3A_109 = tpu.memref_slice %arg6[%add3A_104, %dma_start3A_108] : memref<80x128xi32, #tpu.memory_space<vmem>> -> memref<1x128xi32, #tpu.memory_space<vmem>>
      %dma_start3A_110 = tpu.memref_squeeze %dma_start3A_109 : memref<1x128xi32, #tpu.memory_space<vmem>> -> memref<128xi32, #tpu.memory_space<vmem>>
      %dma_start3A_111 = arith.constant 0 : i32
      %dma_start3A_112 = arith.constant 0 : i32
      %dma_start3A_113 = tpu.memref_slice %arg9[%dma_start3A_111, %dma_start3A_112] : memref<10240x32xf32, #tpu.memory_space<vmem_shared>> -> memref<10240x32xf32, #tpu.memory_space<vmem_shared>>
      tpu.enqueue_indirect_dma source(%dma_start3A_107 : memref<128x32xf32, #tpu.memory_space<vmem>>) target(%dma_start3A_113 : memref<10240x32xf32, #tpu.memory_space<vmem_shared>>) offsets(%dma_start3A_110 : memref<128xi32, #tpu.memory_space<vmem>>) semaphore(%arg12 : memref<!tpu.dma_semaphore, #tpu.memory_space<semaphore_mem>>) {add = true}
      %mul3A_114 = arith.constant 8 : i32
      %mul3A_115 = arith.muli %mul3A_30, %mul3A_114 : i32
      %add3A_116 = arith.constant 6 : i32
      %add3A_117 = arith.addi %mul3A_115, %add3A_116 : i32
      %dma_start3A_118 = arith.constant 768 : i32
      %dma_start3A_119 = arith.constant 0 : i32
      %dma_start3A_120 = tpu.memref_slice %arg7[%dma_start3A_118, %dma_start3A_119] : memref<1024x32xf32, #tpu.memory_space<vmem>> -> memref<128x32xf32, #tpu.memory_space<vmem>>
      %dma_start3A_121 = arith.constant 0 : i32
      %dma_start3A_122 = tpu.memref_slice %arg6[%add3A_117, %dma_start3A_121] : memref<80x128xi32, #tpu.memory_space<vmem>> -> memref<1x128xi32, #tpu.memory_space<vmem>>
      %dma_start3A_123 = tpu.memref_squeeze %dma_start3A_122 : memref<1x128xi32, #tpu.memory_space<vmem>> -> memref<128xi32, #tpu.memory_space<vmem>>
      %dma_start3A_124 = arith.constant 0 : i32
      %dma_start3A_125 = arith.constant 0 : i32
      %dma_start3A_126 = tpu.memref_slice %arg9[%dma_start3A_124, %dma_start3A_125] : memref<10240x32xf32, #tpu.memory_space<vmem_shared>> -> memref<10240x32xf32, #tpu.memory_space<vmem_shared>>
      tpu.enqueue_indirect_dma source(%dma_start3A_120 : memref<128x32xf32, #tpu.memory_space<vmem>>) target(%dma_start3A_126 : memref<10240x32xf32, #tpu.memory_space<vmem_shared>>) offsets(%dma_start3A_123 : memref<128xi32, #tpu.memory_space<vmem>>) semaphore(%arg12 : memref<!tpu.dma_semaphore, #tpu.memory_space<semaphore_mem>>) {add = true}
      %mul3A_127 = arith.constant 8 : i32
      %mul3A_128 = arith.muli %mul3A_30, %mul3A_127 : i32
      %add3A_129 = arith.constant 7 : i32
      %add3A_130 = arith.addi %mul3A_128, %add3A_129 : i32
      %dma_start3A_131 = arith.constant 896 : i32
      %dma_start3A_132 = arith.constant 0 : i32
      %dma_start3A_133 = tpu.memref_slice %arg7[%dma_start3A_131, %dma_start3A_132] : memref<1024x32xf32, #tpu.memory_space<vmem>> -> memref<128x32xf32, #tpu.memory_space<vmem>>
      %dma_start3A_134 = arith.constant 0 : i32
      %dma_start3A_135 = tpu.memref_slice %arg6[%add3A_130, %dma_start3A_134] : memref<80x128xi32, #tpu.memory_space<vmem>> -> memref<1x128xi32, #tpu.memory_space<vmem>>
      %dma_start3A_136 = tpu.memref_squeeze %dma_start3A_135 : memref<1x128xi32, #tpu.memory_space<vmem>> -> memref<128xi32, #tpu.memory_space<vmem>>
      %dma_start3A_137 = arith.constant 0 : i32
      %dma_start3A_138 = arith.constant 0 : i32
      %dma_start3A_139 = tpu.memref_slice %arg9[%dma_start3A_137, %dma_start3A_138] : memref<10240x32xf32, #tpu.memory_space<vmem_shared>> -> memref<10240x32xf32, #tpu.memory_space<vmem_shared>>
      tpu.enqueue_indirect_dma source(%dma_start3A_133 : memref<128x32xf32, #tpu.memory_space<vmem>>) target(%dma_start3A_139 : memref<10240x32xf32, #tpu.memory_space<vmem_shared>>) offsets(%dma_start3A_136 : memref<128xi32, #tpu.memory_space<vmem>>) semaphore(%arg12 : memref<!tpu.dma_semaphore, #tpu.memory_space<semaphore_mem>>) {add = true}
      %dma_wait3A_140 = arith.constant 0 : i32
      %dma_wait3A_141 = arith.constant 0 : i32
      %dma_wait3A_142 = tpu.memref_slice %arg2[%dma_wait3A_140, %dma_wait3A_141] : memref<327680x32xf32, #tpu.memory_space<hbm>> -> memref<1024x32xf32, #tpu.memory_space<hbm>>
      %dma_wait3A_143 = arith.constant 0 : i32
      %dma_wait3A_144 = arith.constant 0 : i32
      %dma_wait3A_145 = tpu.memref_slice %arg2[%dma_wait3A_143, %dma_wait3A_144] : memref<327680x32xf32, #tpu.memory_space<hbm>> -> memref<1024x32xf32, #tpu.memory_space<hbm>>
      tpu.wait_dma2 semaphore(%arg12 : memref<!tpu.dma_semaphore, #tpu.memory_space<semaphore_mem>>) src(%dma_wait3A_145 : memref<1024x32xf32, #tpu.memory_space<hbm>>) dst(%arg7 : memref<1024x32xf32, #tpu.memory_space<vmem>>)
      %add3A_146 = arith.constant 2 : i32
      %add3A_147 = arith.addi %mul3A_30, %add3A_146 : i32
      %lt3A = arith.constant 10 : i32
      %lt3A_148 = arith.cmpi slt, %add3A_147, %lt3A : i32
      %convert_element_type3A = arith.extui %lt3A_148 : i1 to i32
      %cond3A = arith.constant 0 : i32
      %cond3A_149 = arith.cmpi ne, %convert_element_type3A, %cond3A : i32
      scf.if %cond3A_149 {
        %add3A_275 = arith.constant 2 : i32
        %add3A_276 = arith.addi %mul3A_30, %add3A_275 : i32
        %mul3A_277 = arith.constant 1024 : i32
        %mul3A_278 = arith.muli %add3A_276, %mul3A_277 : i32
        %add3A_279 = arith.addi %mul3A_2, %mul3A_278 : i32
        %dma_start3A_280 = arith.constant 0 : i32
        %dma_start3A_281 = tpu.memref_slice %arg2[%add3A_279, %dma_start3A_280] : memref<327680x32xf32, #tpu.memory_space<hbm>> -> memref<1024x32xf32, #tpu.memory_space<hbm>>
        %dma_start3A_282 = arith.constant 0 : i32
        %dma_start3A_283 = tpu.memref_slice %arg2[%add3A_279, %dma_start3A_282] : memref<327680x32xf32, #tpu.memory_space<hbm>> -> memref<1024x32xf32, #tpu.memory_space<hbm>>
        tpu.enqueue_dma source(%dma_start3A_283 : memref<1024x32xf32, #tpu.memory_space<hbm>>) target(%arg7 : memref<1024x32xf32, #tpu.memory_space<vmem>>) target_semaphore(%arg10 : memref<!tpu.dma_semaphore, #tpu.memory_space<semaphore_mem>>)
      } else {
      }
      %dma_wait3A_150 = arith.constant 0 : i32
      %dma_wait3A_151 = arith.constant 0 : i32
      %dma_wait3A_152 = tpu.memref_slice %arg2[%dma_wait3A_150, %dma_wait3A_151] : memref<327680x32xf32, #tpu.memory_space<hbm>> -> memref<1024x32xf32, #tpu.memory_space<hbm>>
      %dma_wait3A_153 = arith.constant 0 : i32
      %dma_wait3A_154 = arith.constant 0 : i32
      %dma_wait3A_155 = tpu.memref_slice %arg2[%dma_wait3A_153, %dma_wait3A_154] : memref<327680x32xf32, #tpu.memory_space<hbm>> -> memref<1024x32xf32, #tpu.memory_space<hbm>>
      tpu.wait_dma2 semaphore(%arg11 : memref<!tpu.dma_semaphore, #tpu.memory_space<semaphore_mem>>) src(%dma_wait3A_155 : memref<1024x32xf32, #tpu.memory_space<hbm>>) dst(%arg8 : memref<1024x32xf32, #tpu.memory_space<vmem>>)
      %add3A_156 = arith.constant 1 : i32
      %add3A_157 = arith.addi %mul3A_30, %add3A_156 : i32
      %mul3A_158 = arith.constant 8 : i32
      %mul3A_159 = arith.muli %add3A_157, %mul3A_158 : i32
      %add3A_160 = arith.constant 0 : i32
      %add3A_161 = arith.addi %mul3A_159, %add3A_160 : i32
      %dma_start3A_162 = arith.constant 0 : i32
      %dma_start3A_163 = arith.constant 0 : i32
      %dma_start3A_164 = tpu.memref_slice %arg8[%dma_start3A_162, %dma_start3A_163] : memref<1024x32xf32, #tpu.memory_space<vmem>> -> memref<128x32xf32, #tpu.memory_space<vmem>>
      %dma_start3A_165 = arith.constant 0 : i32
      %dma_start3A_166 = tpu.memref_slice %arg6[%add3A_161, %dma_start3A_165] : memref<80x128xi32, #tpu.memory_space<vmem>> -> memref<1x128xi32, #tpu.memory_space<vmem>>
      %dma_start3A_167 = tpu.memref_squeeze %dma_start3A_166 : memref<1x128xi32, #tpu.memory_space<vmem>> -> memref<128xi32, #tpu.memory_space<vmem>>
      %dma_start3A_168 = arith.constant 0 : i32
      %dma_start3A_169 = arith.constant 0 : i32
      %dma_start3A_170 = tpu.memref_slice %arg9[%dma_start3A_168, %dma_start3A_169] : memref<10240x32xf32, #tpu.memory_space<vmem_shared>> -> memref<10240x32xf32, #tpu.memory_space<vmem_shared>>
      tpu.enqueue_indirect_dma source(%dma_start3A_164 : memref<128x32xf32, #tpu.memory_space<vmem>>) target(%dma_start3A_170 : memref<10240x32xf32, #tpu.memory_space<vmem_shared>>) offsets(%dma_start3A_167 : memref<128xi32, #tpu.memory_space<vmem>>) semaphore(%arg12 : memref<!tpu.dma_semaphore, #tpu.memory_space<semaphore_mem>>) {add = true}
      %mul3A_171 = arith.constant 8 : i32
      %mul3A_172 = arith.muli %add3A_157, %mul3A_171 : i32
      %add3A_173 = arith.constant 1 : i32
      %add3A_174 = arith.addi %mul3A_172, %add3A_173 : i32
      %dma_start3A_175 = arith.constant 128 : i32
      %dma_start3A_176 = arith.constant 0 : i32
      %dma_start3A_177 = tpu.memref_slice %arg8[%dma_start3A_175, %dma_start3A_176] : memref<1024x32xf32, #tpu.memory_space<vmem>> -> memref<128x32xf32, #tpu.memory_space<vmem>>
      %dma_start3A_178 = arith.constant 0 : i32
      %dma_start3A_179 = tpu.memref_slice %arg6[%add3A_174, %dma_start3A_178] : memref<80x128xi32, #tpu.memory_space<vmem>> -> memref<1x128xi32, #tpu.memory_space<vmem>>
      %dma_start3A_180 = tpu.memref_squeeze %dma_start3A_179 : memref<1x128xi32, #tpu.memory_space<vmem>> -> memref<128xi32, #tpu.memory_space<vmem>>
      %dma_start3A_181 = arith.constant 0 : i32
      %dma_start3A_182 = arith.constant 0 : i32
      %dma_start3A_183 = tpu.memref_slice %arg9[%dma_start3A_181, %dma_start3A_182] : memref<10240x32xf32, #tpu.memory_space<vmem_shared>> -> memref<10240x32xf32, #tpu.memory_space<vmem_shared>>
      tpu.enqueue_indirect_dma source(%dma_start3A_177 : memref<128x32xf32, #tpu.memory_space<vmem>>) target(%dma_start3A_183 : memref<10240x32xf32, #tpu.memory_space<vmem_shared>>) offsets(%dma_start3A_180 : memref<128xi32, #tpu.memory_space<vmem>>) semaphore(%arg12 : memref<!tpu.dma_semaphore, #tpu.memory_space<semaphore_mem>>) {add = true}
      %mul3A_184 = arith.constant 8 : i32
      %mul3A_185 = arith.muli %add3A_157, %mul3A_184 : i32
      %add3A_186 = arith.constant 2 : i32
      %add3A_187 = arith.addi %mul3A_185, %add3A_186 : i32
      %dma_start3A_188 = arith.constant 256 : i32
      %dma_start3A_189 = arith.constant 0 : i32
      %dma_start3A_190 = tpu.memref_slice %arg8[%dma_start3A_188, %dma_start3A_189] : memref<1024x32xf32, #tpu.memory_space<vmem>> -> memref<128x32xf32, #tpu.memory_space<vmem>>
      %dma_start3A_191 = arith.constant 0 : i32
      %dma_start3A_192 = tpu.memref_slice %arg6[%add3A_187, %dma_start3A_191] : memref<80x128xi32, #tpu.memory_space<vmem>> -> memref<1x128xi32, #tpu.memory_space<vmem>>
      %dma_start3A_193 = tpu.memref_squeeze %dma_start3A_192 : memref<1x128xi32, #tpu.memory_space<vmem>> -> memref<128xi32, #tpu.memory_space<vmem>>
      %dma_start3A_194 = arith.constant 0 : i32
      %dma_start3A_195 = arith.constant 0 : i32
      %dma_start3A_196 = tpu.memref_slice %arg9[%dma_start3A_194, %dma_start3A_195] : memref<10240x32xf32, #tpu.memory_space<vmem_shared>> -> memref<10240x32xf32, #tpu.memory_space<vmem_shared>>
      tpu.enqueue_indirect_dma source(%dma_start3A_190 : memref<128x32xf32, #tpu.memory_space<vmem>>) target(%dma_start3A_196 : memref<10240x32xf32, #tpu.memory_space<vmem_shared>>) offsets(%dma_start3A_193 : memref<128xi32, #tpu.memory_space<vmem>>) semaphore(%arg12 : memref<!tpu.dma_semaphore, #tpu.memory_space<semaphore_mem>>) {add = true}
      %mul3A_197 = arith.constant 8 : i32
      %mul3A_198 = arith.muli %add3A_157, %mul3A_197 : i32
      %add3A_199 = arith.constant 3 : i32
      %add3A_200 = arith.addi %mul3A_198, %add3A_199 : i32
      %dma_start3A_201 = arith.constant 384 : i32
      %dma_start3A_202 = arith.constant 0 : i32
      %dma_start3A_203 = tpu.memref_slice %arg8[%dma_start3A_201, %dma_start3A_202] : memref<1024x32xf32, #tpu.memory_space<vmem>> -> memref<128x32xf32, #tpu.memory_space<vmem>>
      %dma_start3A_204 = arith.constant 0 : i32
      %dma_start3A_205 = tpu.memref_slice %arg6[%add3A_200, %dma_start3A_204] : memref<80x128xi32, #tpu.memory_space<vmem>> -> memref<1x128xi32, #tpu.memory_space<vmem>>
      %dma_start3A_206 = tpu.memref_squeeze %dma_start3A_205 : memref<1x128xi32, #tpu.memory_space<vmem>> -> memref<128xi32, #tpu.memory_space<vmem>>
      %dma_start3A_207 = arith.constant 0 : i32
      %dma_start3A_208 = arith.constant 0 : i32
      %dma_start3A_209 = tpu.memref_slice %arg9[%dma_start3A_207, %dma_start3A_208] : memref<10240x32xf32, #tpu.memory_space<vmem_shared>> -> memref<10240x32xf32, #tpu.memory_space<vmem_shared>>
      tpu.enqueue_indirect_dma source(%dma_start3A_203 : memref<128x32xf32, #tpu.memory_space<vmem>>) target(%dma_start3A_209 : memref<10240x32xf32, #tpu.memory_space<vmem_shared>>) offsets(%dma_start3A_206 : memref<128xi32, #tpu.memory_space<vmem>>) semaphore(%arg12 : memref<!tpu.dma_semaphore, #tpu.memory_space<semaphore_mem>>) {add = true}
      %mul3A_210 = arith.constant 8 : i32
      %mul3A_211 = arith.muli %add3A_157, %mul3A_210 : i32
      %add3A_212 = arith.constant 4 : i32
      %add3A_213 = arith.addi %mul3A_211, %add3A_212 : i32
      %dma_start3A_214 = arith.constant 512 : i32
      %dma_start3A_215 = arith.constant 0 : i32
      %dma_start3A_216 = tpu.memref_slice %arg8[%dma_start3A_214, %dma_start3A_215] : memref<1024x32xf32, #tpu.memory_space<vmem>> -> memref<128x32xf32, #tpu.memory_space<vmem>>
      %dma_start3A_217 = arith.constant 0 : i32
      %dma_start3A_218 = tpu.memref_slice %arg6[%add3A_213, %dma_start3A_217] : memref<80x128xi32, #tpu.memory_space<vmem>> -> memref<1x128xi32, #tpu.memory_space<vmem>>
      %dma_start3A_219 = tpu.memref_squeeze %dma_start3A_218 : memref<1x128xi32, #tpu.memory_space<vmem>> -> memref<128xi32, #tpu.memory_space<vmem>>
      %dma_start3A_220 = arith.constant 0 : i32
      %dma_start3A_221 = arith.constant 0 : i32
      %dma_start3A_222 = tpu.memref_slice %arg9[%dma_start3A_220, %dma_start3A_221] : memref<10240x32xf32, #tpu.memory_space<vmem_shared>> -> memref<10240x32xf32, #tpu.memory_space<vmem_shared>>
      tpu.enqueue_indirect_dma source(%dma_start3A_216 : memref<128x32xf32, #tpu.memory_space<vmem>>) target(%dma_start3A_222 : memref<10240x32xf32, #tpu.memory_space<vmem_shared>>) offsets(%dma_start3A_219 : memref<128xi32, #tpu.memory_space<vmem>>) semaphore(%arg12 : memref<!tpu.dma_semaphore, #tpu.memory_space<semaphore_mem>>) {add = true}
      %mul3A_223 = arith.constant 8 : i32
      %mul3A_224 = arith.muli %add3A_157, %mul3A_223 : i32
      %add3A_225 = arith.constant 5 : i32
      %add3A_226 = arith.addi %mul3A_224, %add3A_225 : i32
      %dma_start3A_227 = arith.constant 640 : i32
      %dma_start3A_228 = arith.constant 0 : i32
      %dma_start3A_229 = tpu.memref_slice %arg8[%dma_start3A_227, %dma_start3A_228] : memref<1024x32xf32, #tpu.memory_space<vmem>> -> memref<128x32xf32, #tpu.memory_space<vmem>>
      %dma_start3A_230 = arith.constant 0 : i32
      %dma_start3A_231 = tpu.memref_slice %arg6[%add3A_226, %dma_start3A_230] : memref<80x128xi32, #tpu.memory_space<vmem>> -> memref<1x128xi32, #tpu.memory_space<vmem>>
      %dma_start3A_232 = tpu.memref_squeeze %dma_start3A_231 : memref<1x128xi32, #tpu.memory_space<vmem>> -> memref<128xi32, #tpu.memory_space<vmem>>
      %dma_start3A_233 = arith.constant 0 : i32
      %dma_start3A_234 = arith.constant 0 : i32
      %dma_start3A_235 = tpu.memref_slice %arg9[%dma_start3A_233, %dma_start3A_234] : memref<10240x32xf32, #tpu.memory_space<vmem_shared>> -> memref<10240x32xf32, #tpu.memory_space<vmem_shared>>
      tpu.enqueue_indirect_dma source(%dma_start3A_229 : memref<128x32xf32, #tpu.memory_space<vmem>>) target(%dma_start3A_235 : memref<10240x32xf32, #tpu.memory_space<vmem_shared>>) offsets(%dma_start3A_232 : memref<128xi32, #tpu.memory_space<vmem>>) semaphore(%arg12 : memref<!tpu.dma_semaphore, #tpu.memory_space<semaphore_mem>>) {add = true}
      %mul3A_236 = arith.constant 8 : i32
      %mul3A_237 = arith.muli %add3A_157, %mul3A_236 : i32
      %add3A_238 = arith.constant 6 : i32
      %add3A_239 = arith.addi %mul3A_237, %add3A_238 : i32
      %dma_start3A_240 = arith.constant 768 : i32
      %dma_start3A_241 = arith.constant 0 : i32
      %dma_start3A_242 = tpu.memref_slice %arg8[%dma_start3A_240, %dma_start3A_241] : memref<1024x32xf32, #tpu.memory_space<vmem>> -> memref<128x32xf32, #tpu.memory_space<vmem>>
      %dma_start3A_243 = arith.constant 0 : i32
      %dma_start3A_244 = tpu.memref_slice %arg6[%add3A_239, %dma_start3A_243] : memref<80x128xi32, #tpu.memory_space<vmem>> -> memref<1x128xi32, #tpu.memory_space<vmem>>
      %dma_start3A_245 = tpu.memref_squeeze %dma_start3A_244 : memref<1x128xi32, #tpu.memory_space<vmem>> -> memref<128xi32, #tpu.memory_space<vmem>>
      %dma_start3A_246 = arith.constant 0 : i32
      %dma_start3A_247 = arith.constant 0 : i32
      %dma_start3A_248 = tpu.memref_slice %arg9[%dma_start3A_246, %dma_start3A_247] : memref<10240x32xf32, #tpu.memory_space<vmem_shared>> -> memref<10240x32xf32, #tpu.memory_space<vmem_shared>>
      tpu.enqueue_indirect_dma source(%dma_start3A_242 : memref<128x32xf32, #tpu.memory_space<vmem>>) target(%dma_start3A_248 : memref<10240x32xf32, #tpu.memory_space<vmem_shared>>) offsets(%dma_start3A_245 : memref<128xi32, #tpu.memory_space<vmem>>) semaphore(%arg12 : memref<!tpu.dma_semaphore, #tpu.memory_space<semaphore_mem>>) {add = true}
      %mul3A_249 = arith.constant 8 : i32
      %mul3A_250 = arith.muli %add3A_157, %mul3A_249 : i32
      %add3A_251 = arith.constant 7 : i32
      %add3A_252 = arith.addi %mul3A_250, %add3A_251 : i32
      %dma_start3A_253 = arith.constant 896 : i32
      %dma_start3A_254 = arith.constant 0 : i32
      %dma_start3A_255 = tpu.memref_slice %arg8[%dma_start3A_253, %dma_start3A_254] : memref<1024x32xf32, #tpu.memory_space<vmem>> -> memref<128x32xf32, #tpu.memory_space<vmem>>
      %dma_start3A_256 = arith.constant 0 : i32
      %dma_start3A_257 = tpu.memref_slice %arg6[%add3A_252, %dma_start3A_256] : memref<80x128xi32, #tpu.memory_space<vmem>> -> memref<1x128xi32, #tpu.memory_space<vmem>>
      %dma_start3A_258 = tpu.memref_squeeze %dma_start3A_257 : memref<1x128xi32, #tpu.memory_space<vmem>> -> memref<128xi32, #tpu.memory_space<vmem>>
      %dma_start3A_259 = arith.constant 0 : i32
      %dma_start3A_260 = arith.constant 0 : i32
      %dma_start3A_261 = tpu.memref_slice %arg9[%dma_start3A_259, %dma_start3A_260] : memref<10240x32xf32, #tpu.memory_space<vmem_shared>> -> memref<10240x32xf32, #tpu.memory_space<vmem_shared>>
      tpu.enqueue_indirect_dma source(%dma_start3A_255 : memref<128x32xf32, #tpu.memory_space<vmem>>) target(%dma_start3A_261 : memref<10240x32xf32, #tpu.memory_space<vmem_shared>>) offsets(%dma_start3A_258 : memref<128xi32, #tpu.memory_space<vmem>>) semaphore(%arg12 : memref<!tpu.dma_semaphore, #tpu.memory_space<semaphore_mem>>) {add = true}
      %dma_wait3A_262 = arith.constant 0 : i32
      %dma_wait3A_263 = arith.constant 0 : i32
      %dma_wait3A_264 = tpu.memref_slice %arg2[%dma_wait3A_262, %dma_wait3A_263] : memref<327680x32xf32, #tpu.memory_space<hbm>> -> memref<1024x32xf32, #tpu.memory_space<hbm>>
      %dma_wait3A_265 = arith.constant 0 : i32
      %dma_wait3A_266 = arith.constant 0 : i32
      %dma_wait3A_267 = tpu.memref_slice %arg2[%dma_wait3A_265, %dma_wait3A_266] : memref<327680x32xf32, #tpu.memory_space<hbm>> -> memref<1024x32xf32, #tpu.memory_space<hbm>>
      tpu.wait_dma2 semaphore(%arg12 : memref<!tpu.dma_semaphore, #tpu.memory_space<semaphore_mem>>) src(%dma_wait3A_267 : memref<1024x32xf32, #tpu.memory_space<hbm>>) dst(%arg8 : memref<1024x32xf32, #tpu.memory_space<vmem>>)
      %add3A_268 = arith.constant 3 : i32
      %add3A_269 = arith.addi %mul3A_30, %add3A_268 : i32
      %lt3A_270 = arith.constant 10 : i32
      %lt3A_271 = arith.cmpi slt, %add3A_269, %lt3A_270 : i32
      %convert_element_type3A_272 = arith.extui %lt3A_271 : i1 to i32
      %cond3A_273 = arith.constant 0 : i32
      %cond3A_274 = arith.cmpi ne, %convert_element_type3A_272, %cond3A_273 : i32
      scf.if %cond3A_274 {
        %add3A_275 = arith.constant 3 : i32
        %add3A_276 = arith.addi %mul3A_30, %add3A_275 : i32
        %mul3A_277 = arith.constant 1024 : i32
        %mul3A_278 = arith.muli %add3A_276, %mul3A_277 : i32
        %add3A_279 = arith.addi %mul3A_2, %mul3A_278 : i32
        %dma_start3A_280 = arith.constant 0 : i32
        %dma_start3A_281 = tpu.memref_slice %arg2[%add3A_279, %dma_start3A_280] : memref<327680x32xf32, #tpu.memory_space<hbm>> -> memref<1024x32xf32, #tpu.memory_space<hbm>>
        %dma_start3A_282 = arith.constant 0 : i32
        %dma_start3A_283 = tpu.memref_slice %arg2[%add3A_279, %dma_start3A_282] : memref<327680x32xf32, #tpu.memory_space<hbm>> -> memref<1024x32xf32, #tpu.memory_space<hbm>>
        tpu.enqueue_dma source(%dma_start3A_283 : memref<1024x32xf32, #tpu.memory_space<hbm>>) target(%arg8 : memref<1024x32xf32, #tpu.memory_space<vmem>>) target_semaphore(%arg11 : memref<!tpu.dma_semaphore, #tpu.memory_space<semaphore_mem>>)
      } else {
      }
    }
    %scan3A_22 = arith.constant 5 : i32
    %barrier3A_23 = arith.constant 0 : index
    tpu.barrier barrier_id(%barrier3A_23)
    %mul3A_24 = arith.constant 640 : i32
    %mul3A_25 = arith.muli %arg1, %mul3A_24 : i32
    %mul3A_26 = arith.constant 640 : i32
    %mul3A_27 = arith.muli %arg1, %mul3A_26 : i32
    "tpu.region"() ({
      %run_scoped3A = tpu.sem_alloc : memref<!tpu.dma_semaphore, #tpu.memory_space<semaphore_mem>>
      %dma_start3A_28 = arith.constant 0 : i32
      %dma_start3A_29 = tpu.memref_slice %arg5[%arg0, %mul3A_27, %dma_start3A_28] : memref<2x10240x32xf32, #tpu.memory_space<hbm>> -> memref<1x640x32xf32, #tpu.memory_space<hbm>>
      %dma_start3A_30 = tpu.memref_squeeze %dma_start3A_29 : memref<1x640x32xf32, #tpu.memory_space<hbm>> -> memref<640x32xf32, #tpu.memory_space<hbm>>
      %dma_start3A_31 = arith.constant 0 : i32
      %dma_start3A_32 = tpu.memref_slice %arg9[%mul3A_25, %dma_start3A_31] : memref<10240x32xf32, #tpu.memory_space<vmem_shared>> -> memref<640x32xf32, #tpu.memory_space<vmem_shared>>
      tpu.enqueue_dma source(%dma_start3A_32 : memref<640x32xf32, #tpu.memory_space<vmem_shared>>) target(%dma_start3A_30 : memref<640x32xf32, #tpu.memory_space<hbm>>) target_semaphore(%run_scoped3A : memref<!tpu.dma_semaphore, #tpu.memory_space<semaphore_mem>>)
      %dma_wait3A = arith.constant 0 : i32
      %dma_wait3A_33 = tpu.memref_slice %arg5[%arg0, %mul3A_27, %dma_wait3A] : memref<2x10240x32xf32, #tpu.memory_space<hbm>> -> memref<1x640x32xf32, #tpu.memory_space<hbm>>
      %dma_wait3A_34 = tpu.memref_squeeze %dma_wait3A_33 : memref<1x640x32xf32, #tpu.memory_space<hbm>> -> memref<640x32xf32, #tpu.memory_space<hbm>>
      %dma_wait3A_35 = arith.constant 0 : i32
      %dma_wait3A_36 = tpu.memref_slice %arg9[%mul3A_25, %dma_wait3A_35] : memref<10240x32xf32, #tpu.memory_space<vmem_shared>> -> memref<640x32xf32, #tpu.memory_space<vmem_shared>>
      tpu.wait_dma2 semaphore(%run_scoped3A : memref<!tpu.dma_semaphore, #tpu.memory_space<semaphore_mem>>) src(%dma_wait3A_36 : memref<640x32xf32, #tpu.memory_space<vmem_shared>>) dst(%dma_wait3A_34 : memref<640x32xf32, #tpu.memory_space<hbm>>)
      tpu.yield
    }) : () -> ()
    return
  }
}

module attributes {stable_mosaic.version = 14 : i64} {
  func.func @_scal_body(%arg0: i32, %arg1: memref<3x128x512xf32, #tpu.memory_space<vmem>>, %arg2: memref<3x128x512xf32, #tpu.memory_space<vmem>>) attributes {dimension_semantics = [#tpu.dimension_semantics<arbitrary>], iteration_bounds = array<i64: 5>, scalar_prefetch = 0 : i64, scratch_operands = 0 : i64, tpu.core_type = #tpu.core_type<tc>, window_params = [{transform_indices = @transform_0, window_bounds = array<i64: 3, 128, 512>}, {transform_indices = @transform_1, window_bounds = array<i64: 3, 128, 512>}]} {
    %get3A = arith.constant 0 : index
    %get3A_0 = arith.constant 0 : index
    %get3A_1 = arith.constant 0 : index
    %get3A_2 = vector.load %arg1[%get3A, %get3A_0, %get3A_1] : memref<3x128x512xf32, #tpu.memory_space<vmem>>, vector<1x128x512xf32>
    %get3A_3 = vector.shape_cast %get3A_2 : vector<1x128x512xf32> to vector<128x512xf32>
    %get3A_4 = arith.constant 1 : index
    %get3A_5 = arith.constant 0 : index
    %get3A_6 = arith.constant 0 : index
    %get3A_7 = vector.load %arg1[%get3A_4, %get3A_5, %get3A_6] : memref<3x128x512xf32, #tpu.memory_space<vmem>>, vector<1x128x512xf32>
    %get3A_8 = vector.shape_cast %get3A_7 : vector<1x128x512xf32> to vector<128x512xf32>
    %get3A_9 = arith.constant 2 : index
    %get3A_10 = arith.constant 0 : index
    %get3A_11 = arith.constant 0 : index
    %get3A_12 = vector.load %arg1[%get3A_9, %get3A_10, %get3A_11] : memref<3x128x512xf32, #tpu.memory_space<vmem>>, vector<1x128x512xf32>
    %get3A_13 = vector.shape_cast %get3A_12 : vector<1x128x512xf32> to vector<128x512xf32>
    %mul3A = arith.mulf %get3A_3, %get3A_3 : vector<128x512xf32>
    %mul3A_14 = arith.mulf %get3A_8, %get3A_8 : vector<128x512xf32>
    %add3A = arith.addf %mul3A, %mul3A_14 : vector<128x512xf32>
    %mul3A_15 = arith.mulf %get3A_13, %get3A_13 : vector<128x512xf32>
    %add3A_16 = arith.addf %add3A, %mul3A_15 : vector<128x512xf32>
    %add3A_17 = arith.constant 9.99999996E-13 : f32
    %add3A_18 = vector.broadcast %add3A_17 : f32 to vector<128x512xf32>
    %add3A_19 = arith.addf %add3A_16, %add3A_18 : vector<128x512xf32>
    %sqrt3A = math.sqrt %add3A_19 : vector<128x512xf32>
    %mul3A_20 = arith.constant 0.394784182 : f32
    %mul3A_21 = vector.broadcast %mul3A_20 : f32 to vector<128x512xf32>
    %mul3A_22 = arith.mulf %add3A_16, %mul3A_21 : vector<128x512xf32>
    %broadcast_in_dim3A = arith.constant 2.38973863E-14 : f32
    %broadcast_in_dim3A_23 = vector.broadcast %broadcast_in_dim3A : f32 to vector<128x512xf32>
    %mul3A_24 = arith.mulf %broadcast_in_dim3A_23, %mul3A_22 : vector<128x512xf32>
    %add3A_25 = arith.constant -5.73537268E-12 : f32
    %add3A_26 = vector.broadcast %add3A_25 : f32 to vector<128x512xf32>
    %add3A_27 = arith.addf %mul3A_24, %add3A_26 : vector<128x512xf32>
    %mul3A_28 = arith.mulf %add3A_27, %mul3A_22 : vector<128x512xf32>
    %add3A_29 = arith.constant 1.04383779E-9 : f32
    %add3A_30 = vector.broadcast %add3A_29 : f32 to vector<128x512xf32>
    %add3A_31 = arith.addf %mul3A_28, %add3A_30 : vector<128x512xf32>
    %mul3A_32 = arith.mulf %add3A_31, %mul3A_22 : vector<128x512xf32>
    %add3A_33 = arith.constant -1.377866E-7 : f32
    %add3A_34 = vector.broadcast %add3A_33 : f32 to vector<128x512xf32>
    %add3A_35 = arith.addf %mul3A_32, %add3A_34 : vector<128x512xf32>
    %mul3A_36 = arith.mulf %add3A_35, %mul3A_22 : vector<128x512xf32>
    %add3A_37 = arith.constant 1.24007938E-5 : f32
    %add3A_38 = vector.broadcast %add3A_37 : f32 to vector<128x512xf32>
    %add3A_39 = arith.addf %mul3A_36, %add3A_38 : vector<128x512xf32>
    %mul3A_40 = arith.mulf %add3A_39, %mul3A_22 : vector<128x512xf32>
    %add3A_41 = arith.constant -6.94444461E-4 : f32
    %add3A_42 = vector.broadcast %add3A_41 : f32 to vector<128x512xf32>
    %add3A_43 = arith.addf %mul3A_40, %add3A_42 : vector<128x512xf32>
    %mul3A_44 = arith.mulf %add3A_43, %mul3A_22 : vector<128x512xf32>
    %add3A_45 = arith.constant 0.020833334 : f32
    %add3A_46 = vector.broadcast %add3A_45 : f32 to vector<128x512xf32>
    %add3A_47 = arith.addf %mul3A_44, %add3A_46 : vector<128x512xf32>
    %mul3A_48 = arith.mulf %add3A_47, %mul3A_22 : vector<128x512xf32>
    %add3A_49 = arith.constant -2.500000e-01 : f32
    %add3A_50 = vector.broadcast %add3A_49 : f32 to vector<128x512xf32>
    %add3A_51 = arith.addf %mul3A_48, %add3A_50 : vector<128x512xf32>
    %mul3A_52 = arith.mulf %add3A_51, %mul3A_22 : vector<128x512xf32>
    %add3A_53 = arith.constant 1.000000e+00 : f32
    %add3A_54 = vector.broadcast %add3A_53 : f32 to vector<128x512xf32>
    %add3A_55 = arith.addf %mul3A_52, %add3A_54 : vector<128x512xf32>
    %lt3A = arith.constant 2.500000e+01 : f32
    %lt3A_56 = vector.broadcast %lt3A : f32 to vector<128x512xf32>
    %lt3A_57 = arith.cmpf olt, %add3A_16, %lt3A_56 : vector<128x512xf32>
    %jit3A = arith.constant 0.000000e+00 : f32
    %broadcast_in_dim3A_58 = vector.broadcast %jit3A : f32 to vector<128x512xf32>
    %select_n3A = arith.select %lt3A_57, %add3A_55, %broadcast_in_dim3A_58 : vector<128x512xi1>, vector<128x512xf32>
    %gt3A = arith.constant 0.000000e+00 : f32
    %gt3A_59 = vector.broadcast %gt3A : f32 to vector<128x512xf32>
    %gt3A_60 = arith.cmpf ogt, %select_n3A, %gt3A_59 : vector<128x512xf32>
    %log3A = math.log %select_n3A : vector<128x512xf32>
    %jit3A_61 = arith.constant -1.000000e+30 : f32
    %broadcast_in_dim3A_62 = vector.broadcast %jit3A_61 : f32 to vector<128x512xf32>
    %select_n3A_63 = arith.select %gt3A_60, %log3A, %broadcast_in_dim3A_62 : vector<128x512xi1>, vector<128x512xf32>
    %swap3A = arith.constant 0 : index
    %swap3A_64 = arith.constant 0 : index
    %swap3A_65 = arith.constant 0 : index
    %swap3A_66 = vector.load %arg2[%swap3A, %swap3A_64, %swap3A_65] : memref<3x128x512xf32, #tpu.memory_space<vmem>>, vector<1x128x512xf32>
    %swap3A_67 = vector.shape_cast %swap3A_66 : vector<1x128x512xf32> to vector<128x512xf32>
    %swap3A_68 = vector.shape_cast %add3A_16 : vector<128x512xf32> to vector<1x128x512xf32>
    tpu.vector_store %arg2[%swap3A, %swap3A_64, %swap3A_65], %swap3A_68 {strides = array<i32>} : memref<3x128x512xf32, #tpu.memory_space<vmem>>, vector<1x128x512xf32>,
    %swap3A_69 = arith.constant 1 : index
    %swap3A_70 = arith.constant 0 : index
    %swap3A_71 = arith.constant 0 : index
    %swap3A_72 = vector.load %arg2[%swap3A_69, %swap3A_70, %swap3A_71] : memref<3x128x512xf32, #tpu.memory_space<vmem>>, vector<1x128x512xf32>
    %swap3A_73 = vector.shape_cast %swap3A_72 : vector<1x128x512xf32> to vector<128x512xf32>
    %swap3A_74 = vector.shape_cast %sqrt3A : vector<128x512xf32> to vector<1x128x512xf32>
    tpu.vector_store %arg2[%swap3A_69, %swap3A_70, %swap3A_71], %swap3A_74 {strides = array<i32>} : memref<3x128x512xf32, #tpu.memory_space<vmem>>, vector<1x128x512xf32>,
    %swap3A_75 = arith.constant 2 : index
    %swap3A_76 = arith.constant 0 : index
    %swap3A_77 = arith.constant 0 : index
    %swap3A_78 = vector.load %arg2[%swap3A_75, %swap3A_76, %swap3A_77] : memref<3x128x512xf32, #tpu.memory_space<vmem>>, vector<1x128x512xf32>
    %swap3A_79 = vector.shape_cast %swap3A_78 : vector<1x128x512xf32> to vector<128x512xf32>
    %swap3A_80 = vector.shape_cast %select_n3A_63 : vector<128x512xf32> to vector<1x128x512xf32>
    tpu.vector_store %arg2[%swap3A_75, %swap3A_76, %swap3A_77], %swap3A_80 {strides = array<i32>} : memref<3x128x512xf32, #tpu.memory_space<vmem>>, vector<1x128x512xf32>,
    return
  }
  func.func @transform_0(%arg0: i32) -> (i32, i32, i32) {
    %c0_i32 = arith.constant 0 : i32
    %c0_i32_0 = arith.constant 0 : i32
    %c0_i32_1 = arith.constant 0 : i32
    return %c0_i32, %arg0, %c0_i32_0 : i32, i32, i32
  }
  func.func @transform_1(%arg0: i32) -> (i32, i32, i32) {
    %c0_i32 = arith.constant 0 : i32
    %c0_i32_0 = arith.constant 0 : i32
    %c0_i32_1 = arith.constant 0 : i32
    return %c0_i32, %arg0, %c0_i32_0 : i32, i32, i32
  }
}

module attributes {stable_mosaic.version = 14 : i64} {
  func.func @_pair_body(%arg0: i32, %arg1: memref<12x4096xf32, #tpu.memory_space<vmem>>, %arg2: memref<4096x128xf32, #tpu.memory_space<vmem>>) attributes {dimension_semantics = [#tpu.dimension_semantics<arbitrary>], iteration_bounds = array<i64: 20>, scalar_prefetch = 0 : i64, scratch_operands = 0 : i64, tpu.core_type = #tpu.core_type<tc>, window_params = [{transform_indices = @transform_0, window_bounds = array<i64: 12, 4096>}, {transform_indices = @transform_1, window_bounds = array<i64: 4096, 128>}]} {
    %get3A = arith.constant 0 : index
    %get3A_0 = arith.constant 0 : index
    %get3A_1 = vector.load %arg1[%get3A, %get3A_0] : memref<12x4096xf32, #tpu.memory_space<vmem>>, vector<12x4096xf32>
    %iota3A = tpu.iota {dimensions = array<i32: 0>} : vector<12x128xi32>
    %iota3A_2 = tpu.iota {dimensions = array<i32: 1>} : vector<12x128xi32>
    %jit3A = arith.constant 3 : i32
    %div3A = vector.broadcast %jit3A : i32 to vector<12x128xi32>
    %div3A_3 = arith.divsi %iota3A, %div3A : vector<12x128xi32>
    %sign3A = arith.constant 0 : i32
    %sign3A_4 = vector.broadcast %sign3A : i32 to vector<12x128xi32>
    %sign3A_5 = arith.cmpi sgt, %iota3A, %sign3A_4 : vector<12x128xi32>
    %sign3A_6 = arith.extui %sign3A_5 : vector<12x128xi1> to vector<12x128xi32>
    %sign3A_7 = arith.constant 0 : i32
    %sign3A_8 = vector.broadcast %sign3A_7 : i32 to vector<12x128xi32>
    %sign3A_9 = arith.cmpi slt, %iota3A, %sign3A_8 : vector<12x128xi32>
    %sign3A_10 = arith.extui %sign3A_9 : vector<12x128xi1> to vector<12x128xi32>
    %sign3A_11 = arith.subi %sign3A_6, %sign3A_10 : vector<12x128xi32>
    %sign3A_12 = arith.constant 0 : i32
    %sign3A_13 = arith.cmpi sgt, %jit3A, %sign3A_12 : i32
    %sign3A_14 = arith.extui %sign3A_13 : i1 to i32
    %sign3A_15 = arith.constant 0 : i32
    %sign3A_16 = arith.cmpi slt, %jit3A, %sign3A_15 : i32
    %sign3A_17 = arith.extui %sign3A_16 : i1 to i32
    %sign3A_18 = arith.subi %sign3A_14, %sign3A_17 : i32
    %ne3A = vector.broadcast %sign3A_18 : i32 to vector<12x128xi32>
    %ne3A_19 = arith.cmpi ne, %sign3A_11, %ne3A : vector<12x128xi32>
    %rem3A = vector.broadcast %jit3A : i32 to vector<12x128xi32>
    %rem3A_20 = arith.remsi %iota3A, %rem3A : vector<12x128xi32>
    %ne3A_21 = arith.constant 0 : i32
    %ne3A_22 = vector.broadcast %ne3A_21 : i32 to vector<12x128xi32>
    %ne3A_23 = arith.cmpi ne, %rem3A_20, %ne3A_22 : vector<12x128xi32>
    %and3A = arith.andi %ne3A_19, %ne3A_23 : vector<12x128xi1>
    %sub3A = arith.constant 1 : i32
    %sub3A_24 = vector.broadcast %sub3A : i32 to vector<12x128xi32>
    %sub3A_25 = arith.subi %div3A_3, %sub3A_24 : vector<12x128xi32>
    %select_n3A = arith.select %and3A, %sub3A_25, %div3A_3 : vector<12x128xi1>, vector<12x128xi32>
    %jit3A_26 = arith.constant 3 : i32
    %eq3A = arith.constant 0 : i32
    %eq3A_27 = arith.cmpi eq, %jit3A_26, %eq3A : i32
    %jit3A_28 = arith.constant 1 : i32
    %select_n3A_29 = arith.select %eq3A_27, %jit3A_28, %jit3A_26 : i32
    %rem3A_30 = vector.broadcast %select_n3A_29 : i32 to vector<12x128xi32>
    %rem3A_31 = arith.remsi %iota3A, %rem3A_30 : vector<12x128xi32>
    %ne3A_32 = arith.constant 0 : i32
    %ne3A_33 = vector.broadcast %ne3A_32 : i32 to vector<12x128xi32>
    %ne3A_34 = arith.cmpi ne, %rem3A_31, %ne3A_33 : vector<12x128xi32>
    %lt3A = arith.constant 0 : i32
    %lt3A_35 = vector.broadcast %lt3A : i32 to vector<12x128xi32>
    %lt3A_36 = arith.cmpi slt, %rem3A_31, %lt3A_35 : vector<12x128xi32>
    %lt3A_37 = arith.constant 0 : i32
    %lt3A_38 = arith.cmpi slt, %select_n3A_29, %lt3A_37 : i32
    %ne3A_39 = vector.broadcast %lt3A_38 : i1 to vector<12x128xi1>
    %ne3A_40 = vector.broadcast %ne3A_39 : vector<12x128xi1> to vector<12x128xi1>
    %ne3A_41 = arith.xori %lt3A_36, %ne3A_40 : vector<12x128xi1>
    %and3A_42 = arith.andi %ne3A_41, %ne3A_34 : vector<12x128xi1>
    %add3A = vector.broadcast %select_n3A_29 : i32 to vector<12x128xi32>
    %add3A_43 = arith.addi %rem3A_31, %add3A : vector<12x128xi32>
    %select_n3A_44 = arith.select %and3A_42, %add3A_43, %rem3A_31 : vector<12x128xi1>, vector<12x128xi32>
    %jit3A_45 = arith.constant 32 : i32
    %div3A_46 = vector.broadcast %jit3A_45 : i32 to vector<12x128xi32>
    %div3A_47 = arith.divsi %iota3A_2, %div3A_46 : vector<12x128xi32>
    %sign3A_48 = arith.constant 0 : i32
    %sign3A_49 = vector.broadcast %sign3A_48 : i32 to vector<12x128xi32>
    %sign3A_50 = arith.cmpi sgt, %iota3A_2, %sign3A_49 : vector<12x128xi32>
    %sign3A_51 = arith.extui %sign3A_50 : vector<12x128xi1> to vector<12x128xi32>
    %sign3A_52 = arith.constant 0 : i32
    %sign3A_53 = vector.broadcast %sign3A_52 : i32 to vector<12x128xi32>
    %sign3A_54 = arith.cmpi slt, %iota3A_2, %sign3A_53 : vector<12x128xi32>
    %sign3A_55 = arith.extui %sign3A_54 : vector<12x128xi1> to vector<12x128xi32>
    %sign3A_56 = arith.subi %sign3A_51, %sign3A_55 : vector<12x128xi32>
    %sign3A_57 = arith.constant 0 : i32
    %sign3A_58 = arith.cmpi sgt, %jit3A_45, %sign3A_57 : i32
    %sign3A_59 = arith.extui %sign3A_58 : i1 to i32
    %sign3A_60 = arith.constant 0 : i32
    %sign3A_61 = arith.cmpi slt, %jit3A_45, %sign3A_60 : i32
    %sign3A_62 = arith.extui %sign3A_61 : i1 to i32
    %sign3A_63 = arith.subi %sign3A_59, %sign3A_62 : i32
    %ne3A_64 = vector.broadcast %sign3A_63 : i32 to vector<12x128xi32>
    %ne3A_65 = arith.cmpi ne, %sign3A_56, %ne3A_64 : vector<12x128xi32>
    %rem3A_66 = vector.broadcast %jit3A_45 : i32 to vector<12x128xi32>
    %rem3A_67 = arith.remsi %iota3A_2, %rem3A_66 : vector<12x128xi32>
    %ne3A_68 = arith.constant 0 : i32
    %ne3A_69 = vector.broadcast %ne3A_68 : i32 to vector<12x128xi32>
    %ne3A_70 = arith.cmpi ne, %rem3A_67, %ne3A_69 : vector<12x128xi32>
    %and3A_71 = arith.andi %ne3A_65, %ne3A_70 : vector<12x128xi1>
    %sub3A_72 = arith.constant 1 : i32
    %sub3A_73 = vector.broadcast %sub3A_72 : i32 to vector<12x128xi32>
    %sub3A_74 = arith.subi %div3A_47, %sub3A_73 : vector<12x128xi32>
    %select_n3A_75 = arith.select %and3A_71, %sub3A_74, %div3A_47 : vector<12x128xi1>, vector<12x128xi32>
    %jit3A_76 = arith.constant 32 : i32
    %eq3A_77 = arith.constant 0 : i32
    %eq3A_78 = arith.cmpi eq, %jit3A_76, %eq3A_77 : i32
    %jit3A_79 = arith.constant 1 : i32
    %select_n3A_80 = arith.select %eq3A_78, %jit3A_79, %jit3A_76 : i32
    %rem3A_81 = vector.broadcast %select_n3A_80 : i32 to vector<12x128xi32>
    %rem3A_82 = arith.remsi %iota3A_2, %rem3A_81 : vector<12x128xi32>
    %ne3A_83 = arith.constant 0 : i32
    %ne3A_84 = vector.broadcast %ne3A_83 : i32 to vector<12x128xi32>
    %ne3A_85 = arith.cmpi ne, %rem3A_82, %ne3A_84 : vector<12x128xi32>
    %lt3A_86 = arith.constant 0 : i32
    %lt3A_87 = vector.broadcast %lt3A_86 : i32 to vector<12x128xi32>
    %lt3A_88 = arith.cmpi slt, %rem3A_82, %lt3A_87 : vector<12x128xi32>
    %lt3A_89 = arith.constant 0 : i32
    %lt3A_90 = arith.cmpi slt, %select_n3A_80, %lt3A_89 : i32
    %ne3A_91 = vector.broadcast %lt3A_90 : i1 to vector<12x128xi1>
    %ne3A_92 = vector.broadcast %ne3A_91 : vector<12x128xi1> to vector<12x128xi1>
    %ne3A_93 = arith.xori %lt3A_88, %ne3A_92 : vector<12x128xi1>
    %and3A_94 = arith.andi %ne3A_93, %ne3A_85 : vector<12x128xi1>
    %add3A_95 = vector.broadcast %select_n3A_80 : i32 to vector<12x128xi32>
    %add3A_96 = arith.addi %rem3A_82, %add3A_95 : vector<12x128xi32>
    %select_n3A_97 = arith.select %and3A_94, %add3A_96, %rem3A_82 : vector<12x128xi1>, vector<12x128xi32>
    %jit3A_98 = arith.constant 8 : i32
    %div3A_99 = vector.broadcast %jit3A_98 : i32 to vector<12x128xi32>
    %div3A_100 = arith.divsi %select_n3A_97, %div3A_99 : vector<12x128xi32>
    %sign3A_101 = arith.constant 0 : i32
    %sign3A_102 = vector.broadcast %sign3A_101 : i32 to vector<12x128xi32>
    %sign3A_103 = arith.cmpi sgt, %select_n3A_97, %sign3A_102 : vector<12x128xi32>
    %sign3A_104 = arith.extui %sign3A_103 : vector<12x128xi1> to vector<12x128xi32>
    %sign3A_105 = arith.constant 0 : i32
    %sign3A_106 = vector.broadcast %sign3A_105 : i32 to vector<12x128xi32>
    %sign3A_107 = arith.cmpi slt, %select_n3A_97, %sign3A_106 : vector<12x128xi32>
    %sign3A_108 = arith.extui %sign3A_107 : vector<12x128xi1> to vector<12x128xi32>
    %sign3A_109 = arith.subi %sign3A_104, %sign3A_108 : vector<12x128xi32>
    %sign3A_110 = arith.constant 0 : i32
    %sign3A_111 = arith.cmpi sgt, %jit3A_98, %sign3A_110 : i32
    %sign3A_112 = arith.extui %sign3A_111 : i1 to i32
    %sign3A_113 = arith.constant 0 : i32
    %sign3A_114 = arith.cmpi slt, %jit3A_98, %sign3A_113 : i32
    %sign3A_115 = arith.extui %sign3A_114 : i1 to i32
    %sign3A_116 = arith.subi %sign3A_112, %sign3A_115 : i32
    %ne3A_117 = vector.broadcast %sign3A_116 : i32 to vector<12x128xi32>
    %ne3A_118 = arith.cmpi ne, %sign3A_109, %ne3A_117 : vector<12x128xi32>
    %rem3A_119 = vector.broadcast %jit3A_98 : i32 to vector<12x128xi32>
    %rem3A_120 = arith.remsi %select_n3A_97, %rem3A_119 : vector<12x128xi32>
    %ne3A_121 = arith.constant 0 : i32
    %ne3A_122 = vector.broadcast %ne3A_121 : i32 to vector<12x128xi32>
    %ne3A_123 = arith.cmpi ne, %rem3A_120, %ne3A_122 : vector<12x128xi32>
    %and3A_124 = arith.andi %ne3A_118, %ne3A_123 : vector<12x128xi1>
    %sub3A_125 = arith.constant 1 : i32
    %sub3A_126 = vector.broadcast %sub3A_125 : i32 to vector<12x128xi32>
    %sub3A_127 = arith.subi %div3A_100, %sub3A_126 : vector<12x128xi32>
    %select_n3A_128 = arith.select %and3A_124, %sub3A_127, %div3A_100 : vector<12x128xi1>, vector<12x128xi32>
    %convert_element_type3A = arith.sitofp %select_n3A_128 : vector<12x128xi32> to vector<12x128xf32>
    %exp23A = math.exp2 %convert_element_type3A : vector<12x128xf32>
    %mul3A = arith.constant 5.000000e-01 : f32
    %mul3A_129 = vector.broadcast %mul3A : f32 to vector<12x128xf32>
    %mul3A_130 = arith.mulf %mul3A_129, %exp23A : vector<12x128xf32>
    %jit3A_131 = arith.constant 8 : i32
    %eq3A_132 = arith.constant 0 : i32
    %eq3A_133 = arith.cmpi eq, %jit3A_131, %eq3A_132 : i32
    %jit3A_134 = arith.constant 1 : i32
    %select_n3A_135 = arith.select %eq3A_133, %jit3A_134, %jit3A_131 : i32
    %rem3A_136 = vector.broadcast %select_n3A_135 : i32 to vector<12x128xi32>
    %rem3A_137 = arith.remsi %select_n3A_97, %rem3A_136 : vector<12x128xi32>
    %ne3A_138 = arith.constant 0 : i32
    %ne3A_139 = vector.broadcast %ne3A_138 : i32 to vector<12x128xi32>
    %ne3A_140 = arith.cmpi ne, %rem3A_137, %ne3A_139 : vector<12x128xi32>
    %lt3A_141 = arith.constant 0 : i32
    %lt3A_142 = vector.broadcast %lt3A_141 : i32 to vector<12x128xi32>
    %lt3A_143 = arith.cmpi slt, %rem3A_137, %lt3A_142 : vector<12x128xi32>
    %lt3A_144 = arith.constant 0 : i32
    %lt3A_145 = arith.cmpi slt, %select_n3A_135, %lt3A_144 : i32
    %ne3A_146 = vector.broadcast %lt3A_145 : i1 to vector<12x128xi1>
    %ne3A_147 = vector.broadcast %ne3A_146 : vector<12x128xi1> to vector<12x128xi1>
    %ne3A_148 = arith.xori %lt3A_143, %ne3A_147 : vector<12x128xi1>
    %and3A_149 = arith.andi %ne3A_148, %ne3A_140 : vector<12x128xi1>
    %add3A_150 = vector.broadcast %select_n3A_135 : i32 to vector<12x128xi32>
    %add3A_151 = arith.addi %rem3A_137, %add3A_150 : vector<12x128xi32>
    %select_n3A_152 = arith.select %and3A_149, %add3A_151, %rem3A_137 : vector<12x128xi1>, vector<12x128xi32>
    %convert_element_type3A_153 = arith.sitofp %select_n3A_152 : vector<12x128xi32> to vector<12x128xf32>
    %mul3A_154 = arith.constant 0.571428597 : f32
    %mul3A_155 = vector.broadcast %mul3A_154 : f32 to vector<12x128xf32>
    %mul3A_156 = arith.mulf %convert_element_type3A_153, %mul3A_155 : vector<12x128xf32>
    %add3A_157 = arith.constant 5.000000e-01 : f32
    %add3A_158 = vector.broadcast %add3A_157 : f32 to vector<12x128xf32>
    %add3A_159 = arith.addf %add3A_158, %mul3A_156 : vector<12x128xf32>
    %eq3A_160 = arith.constant 0 : i32
    %eq3A_161 = vector.broadcast %eq3A_160 : i32 to vector<12x128xi32>
    %eq3A_162 = arith.cmpi eq, %select_n3A_44, %eq3A_161 : vector<12x128xi32>
    %neg3A = arith.constant 0.000000e+00 : f32
    %neg3A_163 = vector.broadcast %neg3A : f32 to vector<12x128xf32>
    %neg3A_164 = arith.subf %neg3A_163, %mul3A_130 : vector<12x128xf32>
    %eq3A_165 = arith.constant 1 : i32
    %eq3A_166 = vector.broadcast %eq3A_165 : i32 to vector<12x128xi32>
    %eq3A_167 = arith.cmpi eq, %select_n3A_44, %eq3A_166 : vector<12x128xi32>
    %mul3A_168 = arith.constant 2.000000e+00 : f32
    %mul3A_169 = vector.broadcast %mul3A_168 : f32 to vector<12x128xf32>
    %mul3A_170 = arith.mulf %mul3A_169, %mul3A_130 : vector<12x128xf32>
    %mul3A_171 = arith.mulf %mul3A_170, %add3A_159 : vector<12x128xf32>
    %jit3A_172 = arith.constant 1.000000e+00 : f32
    %broadcast_in_dim3A = vector.broadcast %jit3A_172 : f32 to vector<12x128xf32>
    %select_n3A_173 = arith.select %eq3A_167, %mul3A_171, %broadcast_in_dim3A : vector<12x128xi1>, vector<12x128xf32>
    %select_n3A_174 = arith.select %eq3A_162, %neg3A_164, %select_n3A_173 : vector<12x128xi1>, vector<12x128xf32>
    %eq3A_175 = arith.cmpi eq, %select_n3A, %select_n3A_75 : vector<12x128xi32>
    %lt3A_176 = arith.constant 24 : i32
    %lt3A_177 = vector.broadcast %lt3A_176 : i32 to vector<12x128xi32>
    %lt3A_178 = arith.cmpi slt, %select_n3A_97, %lt3A_177 : vector<12x128xi32>
    %and3A_179 = arith.andi %eq3A_175, %lt3A_178 : vector<12x128xi1>
    %jit3A_180 = arith.constant 0.000000e+00 : f32
    %broadcast_in_dim3A_181 = vector.broadcast %jit3A_180 : f32 to vector<12x128xf32>
    %select_n3A_182 = arith.select %and3A_179, %select_n3A_174, %broadcast_in_dim3A_181 : vector<12x128xi1>, vector<12x128xf32>
    %iota3A_183 = tpu.iota {dimensions = array<i32: 1>} : vector<1x128xi32>
    %jit3A_184 = arith.constant 32 : i32
    %eq3A_185 = arith.constant 0 : i32
    %eq3A_186 = arith.cmpi eq, %jit3A_184, %eq3A_185 : i32
    %jit3A_187 = arith.constant 1 : i32
    %select_n3A_188 = arith.select %eq3A_186, %jit3A_187, %jit3A_184 : i32
    %rem3A_189 = vector.broadcast %select_n3A_188 : i32 to vector<1x128xi32>
    %rem3A_190 = arith.remsi %iota3A_183, %rem3A_189 : vector<1x128xi32>
    %ne3A_191 = arith.constant 0 : i32
    %ne3A_192 = vector.broadcast %ne3A_191 : i32 to vector<1x128xi32>
    %ne3A_193 = arith.cmpi ne, %rem3A_190, %ne3A_192 : vector<1x128xi32>
    %lt3A_194 = arith.constant 0 : i32
    %lt3A_195 = vector.broadcast %lt3A_194 : i32 to vector<1x128xi32>
    %lt3A_196 = arith.cmpi slt, %rem3A_190, %lt3A_195 : vector<1x128xi32>
    %lt3A_197 = arith.constant 0 : i32
    %lt3A_198 = arith.cmpi slt, %select_n3A_188, %lt3A_197 : i32
    %ne3A_199 = vector.broadcast %lt3A_198 : i1 to vector<1x128xi1>
    %ne3A_200 = vector.broadcast %ne3A_199 : vector<1x128xi1> to vector<1x128xi1>
    %ne3A_201 = arith.xori %lt3A_196, %ne3A_200 : vector<1x128xi1>
    %and3A_202 = arith.andi %ne3A_201, %ne3A_193 : vector<1x128xi1>
    %add3A_203 = vector.broadcast %select_n3A_188 : i32 to vector<1x128xi32>
    %add3A_204 = arith.addi %rem3A_190, %add3A_203 : vector<1x128xi32>
    %select_n3A_205 = arith.select %and3A_202, %add3A_204, %rem3A_190 : vector<1x128xi1>, vector<1x128xi32>
    %jit3A_206 = arith.constant 8 : i32
    %div3A_207 = vector.broadcast %jit3A_206 : i32 to vector<1x128xi32>
    %div3A_208 = arith.divsi %select_n3A_205, %div3A_207 : vector<1x128xi32>
    %sign3A_209 = arith.constant 0 : i32
    %sign3A_210 = vector.broadcast %sign3A_209 : i32 to vector<1x128xi32>
    %sign3A_211 = arith.cmpi sgt, %select_n3A_205, %sign3A_210 : vector<1x128xi32>
    %sign3A_212 = arith.extui %sign3A_211 : vector<1x128xi1> to vector<1x128xi32>
    %sign3A_213 = arith.constant 0 : i32
    %sign3A_214 = vector.broadcast %sign3A_213 : i32 to vector<1x128xi32>
    %sign3A_215 = arith.cmpi slt, %select_n3A_205, %sign3A_214 : vector<1x128xi32>
    %sign3A_216 = arith.extui %sign3A_215 : vector<1x128xi1> to vector<1x128xi32>
    %sign3A_217 = arith.subi %sign3A_212, %sign3A_216 : vector<1x128xi32>
    %sign3A_218 = arith.constant 0 : i32
    %sign3A_219 = arith.cmpi sgt, %jit3A_206, %sign3A_218 : i32
    %sign3A_220 = arith.extui %sign3A_219 : i1 to i32
    %sign3A_221 = arith.constant 0 : i32
    %sign3A_222 = arith.cmpi slt, %jit3A_206, %sign3A_221 : i32
    %sign3A_223 = arith.extui %sign3A_222 : i1 to i32
    %sign3A_224 = arith.subi %sign3A_220, %sign3A_223 : i32
    %ne3A_225 = vector.broadcast %sign3A_224 : i32 to vector<1x128xi32>
    %ne3A_226 = arith.cmpi ne, %sign3A_217, %ne3A_225 : vector<1x128xi32>
    %rem3A_227 = vector.broadcast %jit3A_206 : i32 to vector<1x128xi32>
    %rem3A_228 = arith.remsi %select_n3A_205, %rem3A_227 : vector<1x128xi32>
    %ne3A_229 = arith.constant 0 : i32
    %ne3A_230 = vector.broadcast %ne3A_229 : i32 to vector<1x128xi32>
    %ne3A_231 = arith.cmpi ne, %rem3A_228, %ne3A_230 : vector<1x128xi32>
    %and3A_232 = arith.andi %ne3A_226, %ne3A_231 : vector<1x128xi1>
    %sub3A_233 = arith.constant 1 : i32
    %sub3A_234 = vector.broadcast %sub3A_233 : i32 to vector<1x128xi32>
    %sub3A_235 = arith.subi %div3A_208, %sub3A_234 : vector<1x128xi32>
    %select_n3A_236 = arith.select %and3A_232, %sub3A_235, %div3A_208 : vector<1x128xi1>, vector<1x128xi32>
    %convert_element_type3A_237 = arith.sitofp %select_n3A_236 : vector<1x128xi32> to vector<1x128xf32>
    %exp23A_238 = math.exp2 %convert_element_type3A_237 : vector<1x128xf32>
    %mul3A_239 = arith.constant 5.000000e-01 : f32
    %mul3A_240 = vector.broadcast %mul3A_239 : f32 to vector<1x128xf32>
    %mul3A_241 = arith.mulf %mul3A_240, %exp23A_238 : vector<1x128xf32>
    %jit3A_242 = arith.constant 8 : i32
    %eq3A_243 = arith.constant 0 : i32
    %eq3A_244 = arith.cmpi eq, %jit3A_242, %eq3A_243 : i32
    %jit3A_245 = arith.constant 1 : i32
    %select_n3A_246 = arith.select %eq3A_244, %jit3A_245, %jit3A_242 : i32
    %rem3A_247 = vector.broadcast %select_n3A_246 : i32 to vector<1x128xi32>
    %rem3A_248 = arith.remsi %select_n3A_205, %rem3A_247 : vector<1x128xi32>
    %ne3A_249 = arith.constant 0 : i32
    %ne3A_250 = vector.broadcast %ne3A_249 : i32 to vector<1x128xi32>
    %ne3A_251 = arith.cmpi ne, %rem3A_248, %ne3A_250 : vector<1x128xi32>
    %lt3A_252 = arith.constant 0 : i32
    %lt3A_253 = vector.broadcast %lt3A_252 : i32 to vector<1x128xi32>
    %lt3A_254 = arith.cmpi slt, %rem3A_248, %lt3A_253 : vector<1x128xi32>
    %lt3A_255 = arith.constant 0 : i32
    %lt3A_256 = arith.cmpi slt, %select_n3A_246, %lt3A_255 : i32
    %ne3A_257 = vector.broadcast %lt3A_256 : i1 to vector<1x128xi1>
    %ne3A_258 = vector.broadcast %ne3A_257 : vector<1x128xi1> to vector<1x128xi1>
    %ne3A_259 = arith.xori %lt3A_254, %ne3A_258 : vector<1x128xi1>
    %and3A_260 = arith.andi %ne3A_259, %ne3A_251 : vector<1x128xi1>
    %add3A_261 = vector.broadcast %select_n3A_246 : i32 to vector<1x128xi32>
    %add3A_262 = arith.addi %rem3A_248, %add3A_261 : vector<1x128xi32>
    %select_n3A_263 = arith.select %and3A_260, %add3A_262, %rem3A_248 : vector<1x128xi1>, vector<1x128xi32>
    %convert_element_type3A_264 = arith.sitofp %select_n3A_263 : vector<1x128xi32> to vector<1x128xf32>
    %mul3A_265 = arith.constant 0.571428597 : f32
    %mul3A_266 = vector.broadcast %mul3A_265 : f32 to vector<1x128xf32>
    %mul3A_267 = arith.mulf %convert_element_type3A_264, %mul3A_266 : vector<1x128xf32>
    %add3A_268 = arith.constant 5.000000e-01 : f32
    %add3A_269 = vector.broadcast %add3A_268 : f32 to vector<1x128xf32>
    %add3A_270 = arith.addf %add3A_269, %mul3A_267 : vector<1x128xf32>
    %lt3A_271 = arith.constant 24 : i32
    %lt3A_272 = vector.broadcast %lt3A_271 : i32 to vector<1x128xi32>
    %lt3A_273 = arith.cmpi slt, %select_n3A_205, %lt3A_272 : vector<1x128xi32>
    %neg3A_274 = arith.constant 0.000000e+00 : f32
    %neg3A_275 = vector.broadcast %neg3A_274 : f32 to vector<1x128xf32>
    %neg3A_276 = arith.subf %neg3A_275, %mul3A_241 : vector<1x128xf32>
    %mul3A_277 = arith.mulf %neg3A_276, %add3A_270 : vector<1x128xf32>
    %mul3A_278 = arith.mulf %mul3A_277, %add3A_270 : vector<1x128xf32>
    %jit3A_279 = arith.constant -1.000000e+30 : f32
    %broadcast_in_dim3A_280 = vector.broadcast %jit3A_279 : f32 to vector<1x128xf32>
    %select_n3A_281 = arith.select %lt3A_273, %mul3A_278, %broadcast_in_dim3A_280 : vector<1x128xi1>, vector<1x128xf32>
    %dot_general3A = arith.constant dense<0.000000e+00> : vector<4096x128xf32>
    %dot_general3A_282 = tpu.matmul %get3A_1, %select_n3A_182, %dot_general3A {dimension_numbers = #tpu.dot_dimension_numbers<[0], [0], [1], [1], [0, 1, 1, 1], [], []>, precision = #tpu.contract_precision<fp32>, transpose_lhs_hint = false} : vector<12x4096xf32>, vector<12x128xf32>, vector<4096x128xf32> -> vector<4096x128xf32>
    %add3A_283 = vector.broadcast %select_n3A_281 : vector<1x128xf32> to vector<4096x128xf32>
    %add3A_284 = arith.addf %dot_general3A_282, %add3A_283 : vector<4096x128xf32>
    %exp3A = math.exp %add3A_284 : vector<4096x128xf32>
    %swap3A = arith.constant 0 : index
    %swap3A_285 = arith.constant 0 : index
    %swap3A_286 = vector.load %arg2[%swap3A, %swap3A_285] : memref<4096x128xf32, #tpu.memory_space<vmem>>, vector<4096x128xf32>
    tpu.vector_store %arg2[%swap3A, %swap3A_285], %exp3A {strides = array<i32>} : memref<4096x128xf32, #tpu.memory_space<vmem>>, vector<4096x128xf32>,
    return
  }
  func.func @transform_0(%arg0: i32) -> (i32, i32) {
    %c0_i32 = arith.constant 0 : i32
    %c0_i32_0 = arith.constant 0 : i32
    return %c0_i32, %arg0 : i32, i32
  }
  func.func @transform_1(%arg0: i32) -> (i32, i32) {
    %c0_i32 = arith.constant 0 : i32
    %c0_i32_0 = arith.constant 0 : i32
    return %arg0, %c0_i32 : i32, i32
  }
}

module attributes {stable_mosaic.version = 14 : i64} {
  func.func @_mlp_body(%arg0: i32, %arg1: memref<1x1000x32xf32, #tpu.memory_space<vmem>>, %arg2: memref<1x1000x32xf32, #tpu.memory_space<vmem>>, %arg3: memref<1000x1xi32, #tpu.memory_space<vmem>>, %arg4: memref<24x128xf32, #tpu.memory_space<vmem>>, %arg5: memref<24x128xf32, #tpu.memory_space<vmem>>, %arg6: memref<1x128xf32, #tpu.memory_space<vmem>>, %arg7: memref<1x128xf32, #tpu.memory_space<vmem>>, %arg8: memref<128x128xf32, #tpu.memory_space<vmem>>, %arg9: memref<128x128xf32, #tpu.memory_space<vmem>>, %arg10: memref<1x128xf32, #tpu.memory_space<vmem>>, %arg11: memref<1x128xf32, #tpu.memory_space<vmem>>, %arg12: memref<128x128xf32, #tpu.memory_space<vmem>>, %arg13: memref<128x128xf32, #tpu.memory_space<vmem>>, %arg14: memref<1x128xf32, #tpu.memory_space<vmem>>, %arg15: memref<1x128xf32, #tpu.memory_space<vmem>>, %arg16: memref<128x1xf32, #tpu.memory_space<vmem>>, %arg17: memref<128x1xf32, #tpu.memory_space<vmem>>, %arg18: memref<1000x1xf32, #tpu.memory_space<vmem>>) attributes {dimension_semantics = [#tpu.dimension_semantics<arbitrary>], iteration_bounds = array<i64: 10>, scalar_prefetch = 0 : i64, scratch_operands = 0 : i64, tpu.core_type = #tpu.core_type<tc>, window_params = [{transform_indices = @transform_0, window_bounds = array<i64: 1, 1000, 32>}, {transform_indices = @transform_1, window_bounds = array<i64: 1, 1000, 32>}, {transform_indices = @transform_2, window_bounds = array<i64: 1000, 1>}, {pipeline_mode = #tpu.pipeline_mode<synchronous>, transform_indices = @transform_3, window_bounds = array<i64: 24, 128>}, {pipeline_mode = #tpu.pipeline_mode<synchronous>, transform_indices = @transform_4, window_bounds = array<i64: 24, 128>}, {pipeline_mode = #tpu.pipeline_mode<synchronous>, transform_indices = @transform_5, window_bounds = array<i64: 1, 128>}, {pipeline_mode = #tpu.pipeline_mode<synchronous>, transform_indices = @transform_6, window_bounds = array<i64: 1, 128>}, {pipeline_mode = #tpu.pipeline_mode<synchronous>, transform_indices = @transform_7, window_bounds = array<i64: 128, 128>}, {pipeline_mode = #tpu.pipeline_mode<synchronous>, transform_indices = @transform_8, window_bounds = array<i64: 128, 128>}, {pipeline_mode = #tpu.pipeline_mode<synchronous>, transform_indices = @transform_9, window_bounds = array<i64: 1, 128>}, {pipeline_mode = #tpu.pipeline_mode<synchronous>, transform_indices = @transform_10, window_bounds = array<i64: 1, 128>}, {pipeline_mode = #tpu.pipeline_mode<synchronous>, transform_indices = @transform_11, window_bounds = array<i64: 128, 128>}, {pipeline_mode = #tpu.pipeline_mode<synchronous>, transform_indices = @transform_12, window_bounds = array<i64: 128, 128>}, {pipeline_mode = #tpu.pipeline_mode<synchronous>, transform_indices = @transform_13, window_bounds = array<i64: 1, 128>}, {pipeline_mode = #tpu.pipeline_mode<synchronous>, transform_indices = @transform_14, window_bounds = array<i64: 1, 128>}, {pipeline_mode = #tpu.pipeline_mode<synchronous>, transform_indices = @transform_15, window_bounds = array<i64: 128, 1>}, {pipeline_mode = #tpu.pipeline_mode<synchronous>, transform_indices = @transform_16, window_bounds = array<i64: 128, 1>}, {transform_indices = @transform_17, window_bounds = array<i64: 1000, 1>}]} {
    %get3A = arith.constant 0 : index
    %get3A_0 = arith.constant 0 : index
    %get3A_1 = arith.constant 0 : index
    %get3A_2 = vector.load %arg1[%get3A, %get3A_0, %get3A_1] : memref<1x1000x32xf32, #tpu.memory_space<vmem>>, vector<1x1000x32xf32>
    %get3A_3 = vector.shape_cast %get3A_2 : vector<1x1000x32xf32> to vector<1000x32xf32>
    %get3A_4 = arith.constant 0 : index
    %get3A_5 = arith.constant 0 : index
    %get3A_6 = arith.constant 0 : index
    %get3A_7 = vector.load %arg2[%get3A_4, %get3A_5, %get3A_6] : memref<1x1000x32xf32, #tpu.memory_space<vmem>>, vector<1x1000x32xf32>
    %get3A_8 = vector.shape_cast %get3A_7 : vector<1x1000x32xf32> to vector<1000x32xf32>
    %add3A = arith.addf %get3A_3, %get3A_8 : vector<1000x32xf32>
    %mul3A = arith.constant 2.000000e-01 : f32
    %mul3A_9 = vector.broadcast %mul3A : f32 to vector<1000x32xf32>
    %mul3A_10 = arith.mulf %add3A, %mul3A_9 : vector<1000x32xf32>
    %sub3A = arith.constant 1.000000e+00 : f32
    %sub3A_11 = vector.broadcast %sub3A : f32 to vector<1000x32xf32>
    %sub3A_12 = arith.subf %mul3A_10, %sub3A_11 : vector<1000x32xf32>
    %slice3A = vector.extract_strided_slice %sub3A_12 {offsets = [0, 0], sizes = [1000, 24], strides = [1, 1]} : vector<1000x32xf32> to vector<1000x24xf32>
    %get3A_13 = arith.constant 0 : index
    %get3A_14 = arith.constant 0 : index
    %get3A_15 = vector.load %arg4[%get3A_13, %get3A_14] : memref<24x128xf32, #tpu.memory_space<vmem>>, vector<24x128xf32>
    %dot_general3A = arith.constant dense<0.000000e+00> : vector<1000x128xf32>
    %dot_general3A_16 = tpu.matmul %slice3A, %get3A_15, %dot_general3A {dimension_numbers = #tpu.dot_dimension_numbers<[1], [0], [0], [1], [0, 0, 1, 1], [], []>, transpose_lhs_hint = false} : vector<1000x24xf32>, vector<24x128xf32>, vector<1000x128xf32> -> vector<1000x128xf32>
    %get3A_17 = arith.constant 0 : index
    %get3A_18 = arith.constant 0 : index
    %get3A_19 = vector.load %arg6[%get3A_17, %get3A_18] : memref<1x128xf32, #tpu.memory_space<vmem>>, vector<1x128xf32>
    %add3A_20 = vector.broadcast %get3A_19 : vector<1x128xf32> to vector<1000x128xf32>
    %add3A_21 = arith.addf %dot_general3A_16, %add3A_20 : vector<1000x128xf32>
    %tanh3A = math.tanh %add3A_21 : vector<1000x128xf32>
    %get3A_22 = arith.constant 0 : index
    %get3A_23 = arith.constant 0 : index
    %get3A_24 = vector.load %arg5[%get3A_22, %get3A_23] : memref<24x128xf32, #tpu.memory_space<vmem>>, vector<24x128xf32>
    %dot_general3A_25 = arith.constant dense<0.000000e+00> : vector<1000x128xf32>
    %dot_general3A_26 = tpu.matmul %slice3A, %get3A_24, %dot_general3A_25 {dimension_numbers = #tpu.dot_dimension_numbers<[1], [0], [0], [1], [0, 0, 1, 1], [], []>, transpose_lhs_hint = false} : vector<1000x24xf32>, vector<24x128xf32>, vector<1000x128xf32> -> vector<1000x128xf32>
    %get3A_27 = arith.constant 0 : index
    %get3A_28 = arith.constant 0 : index
    %get3A_29 = vector.load %arg7[%get3A_27, %get3A_28] : memref<1x128xf32, #tpu.memory_space<vmem>>, vector<1x128xf32>
    %add3A_30 = vector.broadcast %get3A_29 : vector<1x128xf32> to vector<1000x128xf32>
    %add3A_31 = arith.addf %dot_general3A_26, %add3A_30 : vector<1000x128xf32>
    %tanh3A_32 = math.tanh %add3A_31 : vector<1000x128xf32>
    %get3A_33 = arith.constant 0 : index
    %get3A_34 = arith.constant 0 : index
    %get3A_35 = vector.load %arg8[%get3A_33, %get3A_34] : memref<128x128xf32, #tpu.memory_space<vmem>>, vector<128x128xf32>
    %dot_general3A_36 = arith.constant dense<0.000000e+00> : vector<1000x128xf32>
    %dot_general3A_37 = tpu.matmul %tanh3A, %get3A_35, %dot_general3A_36 {dimension_numbers = #tpu.dot_dimension_numbers<[1], [0], [0], [1], [0, 0, 1, 1], [], []>, transpose_lhs_hint = false} : vector<1000x128xf32>, vector<128x128xf32>, vector<1000x128xf32> -> vector<1000x128xf32>
    %get3A_38 = arith.constant 0 : index
    %get3A_39 = arith.constant 0 : index
    %get3A_40 = vector.load %arg10[%get3A_38, %get3A_39] : memref<1x128xf32, #tpu.memory_space<vmem>>, vector<1x128xf32>
    %add3A_41 = vector.broadcast %get3A_40 : vector<1x128xf32> to vector<1000x128xf32>
    %add3A_42 = arith.addf %dot_general3A_37, %add3A_41 : vector<1000x128xf32>
    %tanh3A_43 = math.tanh %add3A_42 : vector<1000x128xf32>
    %get3A_44 = arith.constant 0 : index
    %get3A_45 = arith.constant 0 : index
    %get3A_46 = vector.load %arg9[%get3A_44, %get3A_45] : memref<128x128xf32, #tpu.memory_space<vmem>>, vector<128x128xf32>
    %dot_general3A_47 = arith.constant dense<0.000000e+00> : vector<1000x128xf32>
    %dot_general3A_48 = tpu.matmul %tanh3A_32, %get3A_46, %dot_general3A_47 {dimension_numbers = #tpu.dot_dimension_numbers<[1], [0], [0], [1], [0, 0, 1, 1], [], []>, transpose_lhs_hint = false} : vector<1000x128xf32>, vector<128x128xf32>, vector<1000x128xf32> -> vector<1000x128xf32>
    %get3A_49 = arith.constant 0 : index
    %get3A_50 = arith.constant 0 : index
    %get3A_51 = vector.load %arg11[%get3A_49, %get3A_50] : memref<1x128xf32, #tpu.memory_space<vmem>>, vector<1x128xf32>
    %add3A_52 = vector.broadcast %get3A_51 : vector<1x128xf32> to vector<1000x128xf32>
    %add3A_53 = arith.addf %dot_general3A_48, %add3A_52 : vector<1000x128xf32>
    %tanh3A_54 = math.tanh %add3A_53 : vector<1000x128xf32>
    %get3A_55 = arith.constant 0 : index
    %get3A_56 = arith.constant 0 : index
    %get3A_57 = vector.load %arg12[%get3A_55, %get3A_56] : memref<128x128xf32, #tpu.memory_space<vmem>>, vector<128x128xf32>
    %dot_general3A_58 = arith.constant dense<0.000000e+00> : vector<1000x128xf32>
    %dot_general3A_59 = tpu.matmul %tanh3A_43, %get3A_57, %dot_general3A_58 {dimension_numbers = #tpu.dot_dimension_numbers<[1], [0], [0], [1], [0, 0, 1, 1], [], []>, transpose_lhs_hint = false} : vector<1000x128xf32>, vector<128x128xf32>, vector<1000x128xf32> -> vector<1000x128xf32>
    %get3A_60 = arith.constant 0 : index
    %get3A_61 = arith.constant 0 : index
    %get3A_62 = vector.load %arg14[%get3A_60, %get3A_61] : memref<1x128xf32, #tpu.memory_space<vmem>>, vector<1x128xf32>
    %add3A_63 = vector.broadcast %get3A_62 : vector<1x128xf32> to vector<1000x128xf32>
    %add3A_64 = arith.addf %dot_general3A_59, %add3A_63 : vector<1000x128xf32>
    %tanh3A_65 = math.tanh %add3A_64 : vector<1000x128xf32>
    %get3A_66 = arith.constant 0 : index
    %get3A_67 = arith.constant 0 : index
    %get3A_68 = vector.load %arg13[%get3A_66, %get3A_67] : memref<128x128xf32, #tpu.memory_space<vmem>>, vector<128x128xf32>
    %dot_general3A_69 = arith.constant dense<0.000000e+00> : vector<1000x128xf32>
    %dot_general3A_70 = tpu.matmul %tanh3A_54, %get3A_68, %dot_general3A_69 {dimension_numbers = #tpu.dot_dimension_numbers<[1], [0], [0], [1], [0, 0, 1, 1], [], []>, transpose_lhs_hint = false} : vector<1000x128xf32>, vector<128x128xf32>, vector<1000x128xf32> -> vector<1000x128xf32>
    %get3A_71 = arith.constant 0 : index
    %get3A_72 = arith.constant 0 : index
    %get3A_73 = vector.load %arg15[%get3A_71, %get3A_72] : memref<1x128xf32, #tpu.memory_space<vmem>>, vector<1x128xf32>
    %add3A_74 = vector.broadcast %get3A_73 : vector<1x128xf32> to vector<1000x128xf32>
    %add3A_75 = arith.addf %dot_general3A_70, %add3A_74 : vector<1000x128xf32>
    %tanh3A_76 = math.tanh %add3A_75 : vector<1000x128xf32>
    %get3A_77 = arith.constant 0 : index
    %get3A_78 = arith.constant 0 : index
    %get3A_79 = vector.load %arg16[%get3A_77, %get3A_78] : memref<128x1xf32, #tpu.memory_space<vmem>>, vector<128x1xf32>
    %dot_general3A_80 = arith.constant dense<0.000000e+00> : vector<1000x1xf32>
    %dot_general3A_81 = tpu.matmul %tanh3A_65, %get3A_79, %dot_general3A_80 {dimension_numbers = #tpu.dot_dimension_numbers<[1], [0], [0], [1], [0, 0, 1, 1], [], []>, transpose_lhs_hint = false} : vector<1000x128xf32>, vector<128x1xf32>, vector<1000x1xf32> -> vector<1000x1xf32>
    %get3A_82 = arith.constant 0 : index
    %get3A_83 = arith.constant 0 : index
    %get3A_84 = vector.load %arg17[%get3A_82, %get3A_83] : memref<128x1xf32, #tpu.memory_space<vmem>>, vector<128x1xf32>
    %dot_general3A_85 = arith.constant dense<0.000000e+00> : vector<1000x1xf32>
    %dot_general3A_86 = tpu.matmul %tanh3A_76, %get3A_84, %dot_general3A_85 {dimension_numbers = #tpu.dot_dimension_numbers<[1], [0], [0], [1], [0, 0, 1, 1], [], []>, transpose_lhs_hint = false} : vector<1000x128xf32>, vector<128x1xf32>, vector<1000x1xf32> -> vector<1000x1xf32>
    %get3A_87 = arith.constant 0 : index
    %get3A_88 = arith.constant 0 : index
    %get3A_89 = vector.load %arg3[%get3A_87, %get3A_88] : memref<1000x1xi32, #tpu.memory_space<vmem>>, vector<1000x1xi32>
    %ge3A = arith.constant 1 : i32
    %ge3A_90 = vector.broadcast %ge3A : i32 to vector<1000x1xi32>
    %ge3A_91 = arith.cmpi sge, %get3A_89, %ge3A_90 : vector<1000x1xi32>
    %select_n3A = arith.select %ge3A_91, %dot_general3A_86, %dot_general3A_81 : vector<1000x1xi1>, vector<1000x1xf32>
    %swap3A = arith.constant 0 : index
    %swap3A_92 = arith.constant 0 : index
    %swap3A_93 = vector.load %arg18[%swap3A, %swap3A_92] : memref<1000x1xf32, #tpu.memory_space<vmem>>, vector<1000x1xf32>
    tpu.vector_store %arg18[%swap3A, %swap3A_92], %select_n3A {strides = array<i32>} : memref<1000x1xf32, #tpu.memory_space<vmem>>, vector<1000x1xf32>,
    return
  }
  func.func @transform_0(%arg0: i32) -> (i32, i32, i32) {
    %c0_i32 = arith.constant 0 : i32
    %c0_i32_0 = arith.constant 0 : i32
    %c0_i32_1 = arith.constant 0 : i32
    return %c0_i32, %arg0, %c0_i32_0 : i32, i32, i32
  }
  func.func @transform_1(%arg0: i32) -> (i32, i32, i32) {
    %c1_i32 = arith.constant 1 : i32
    %c0_i32 = arith.constant 0 : i32
    %c0_i32_0 = arith.constant 0 : i32
    return %c1_i32, %arg0, %c0_i32 : i32, i32, i32
  }
  func.func @transform_2(%arg0: i32) -> (i32, i32) {
    %c0_i32 = arith.constant 0 : i32
    %c0_i32_0 = arith.constant 0 : i32
    return %arg0, %c0_i32 : i32, i32
  }
  func.func @transform_3(%arg0: i32) -> (i32, i32) {
    %c0_i32 = arith.constant 0 : i32
    %c0_i32_0 = arith.constant 0 : i32
    %c0_i32_1 = arith.constant 0 : i32
    return %c0_i32, %c0_i32_0 : i32, i32
  }
  func.func @transform_4(%arg0: i32) -> (i32, i32) {
    %c0_i32 = arith.constant 0 : i32
    %c0_i32_0 = arith.constant 0 : i32
    %c0_i32_1 = arith.constant 0 : i32
    return %c0_i32, %c0_i32_0 : i32, i32
  }
  func.func @transform_5(%arg0: i32) -> (i32, i32) {
    %c0_i32 = arith.constant 0 : i32
    %c0_i32_0 = arith.constant 0 : i32
    %c0_i32_1 = arith.constant 0 : i32
    return %c0_i32, %c0_i32_0 : i32, i32
  }
  func.func @transform_6(%arg0: i32) -> (i32, i32) {
    %c0_i32 = arith.constant 0 : i32
    %c0_i32_0 = arith.constant 0 : i32
    %c0_i32_1 = arith.constant 0 : i32
    return %c0_i32, %c0_i32_0 : i32, i32
  }
  func.func @transform_7(%arg0: i32) -> (i32, i32) {
    %c0_i32 = arith.constant 0 : i32
    %c0_i32_0 = arith.constant 0 : i32
    %c0_i32_1 = arith.constant 0 : i32
    return %c0_i32, %c0_i32_0 : i32, i32
  }
  func.func @transform_8(%arg0: i32) -> (i32, i32) {
    %c0_i32 = arith.constant 0 : i32
    %c0_i32_0 = arith.constant 0 : i32
    %c0_i32_1 = arith.constant 0 : i32
    return %c0_i32, %c0_i32_0 : i32, i32
  }
  func.func @transform_9(%arg0: i32) -> (i32, i32) {
    %c0_i32 = arith.constant 0 : i32
    %c0_i32_0 = arith.constant 0 : i32
    %c0_i32_1 = arith.constant 0 : i32
    return %c0_i32, %c0_i32_0 : i32, i32
  }
  func.func @transform_10(%arg0: i32) -> (i32, i32) {
    %c0_i32 = arith.constant 0 : i32
    %c0_i32_0 = arith.constant 0 : i32
    %c0_i32_1 = arith.constant 0 : i32
    return %c0_i32, %c0_i32_0 : i32, i32
  }
  func.func @transform_11(%arg0: i32) -> (i32, i32) {
    %c0_i32 = arith.constant 0 : i32
    %c0_i32_0 = arith.constant 0 : i32
    %c0_i32_1 = arith.constant 0 : i32
    return %c0_i32, %c0_i32_0 : i32, i32
  }
  func.func @transform_12(%arg0: i32) -> (i32, i32) {
    %c0_i32 = arith.constant 0 : i32
    %c0_i32_0 = arith.constant 0 : i32
    %c0_i32_1 = arith.constant 0 : i32
    return %c0_i32, %c0_i32_0 : i32, i32
  }
  func.func @transform_13(%arg0: i32) -> (i32, i32) {
    %c0_i32 = arith.constant 0 : i32
    %c0_i32_0 = arith.constant 0 : i32
    %c0_i32_1 = arith.constant 0 : i32
    return %c0_i32, %c0_i32_0 : i32, i32
  }
  func.func @transform_14(%arg0: i32) -> (i32, i32) {
    %c0_i32 = arith.constant 0 : i32
    %c0_i32_0 = arith.constant 0 : i32
    %c0_i32_1 = arith.constant 0 : i32
    return %c0_i32, %c0_i32_0 : i32, i32
  }
  func.func @transform_15(%arg0: i32) -> (i32, i32) {
    %c0_i32 = arith.constant 0 : i32
    %c0_i32_0 = arith.constant 0 : i32
    %c0_i32_1 = arith.constant 0 : i32
    return %c0_i32, %c0_i32_0 : i32, i32
  }
  func.func @transform_16(%arg0: i32) -> (i32, i32) {
    %c0_i32 = arith.constant 0 : i32
    %c0_i32_0 = arith.constant 0 : i32
    %c0_i32_1 = arith.constant 0 : i32
    return %c0_i32, %c0_i32_0 : i32, i32
  }
  func.func @transform_17(%arg0: i32) -> (i32, i32) {
    %c0_i32 = arith.constant 0 : i32
    %c0_i32_0 = arith.constant 0 : i32
    return %arg0, %c0_i32 : i32, i32
  }
}

</mosaic_0001>

<sc_bundles>
// kernel: kernel.6.cloned.1.call-start
scs
__scs_entry_jumppad:
0x0: {  	(pc) =	sbr.rel $0x88, $3  }
0x1: {  	(tag) =	ssettag $0x0;
	lr =	simm.s32 $0x1  }
0x2: {  	[smem:$0x3F90] =	sst lr;
	_ =	strace $0xD0000000  }
0x3: {  	_ = 	snop  }
0x4: {  	_ = 	snop  }
0x5: {  	_ = 	snop  }
0x6: {  	_ = 	snop  }
0x7: {  	_ = 	snop  }
__scs_overlays_trampoline_lowered:
0x8: {  	[smem:$0x3F9F] =	sst s0  }
0x9: {  	[smem:$0x3FA0] =	sst s1  }
0xa: {  	[smem:$0x3FA1] =	sst s2  }
0xb: {  	[smem:$0x3FA2] =	sst s3  }
0xc: {  	[smem:$0x3FA3] =	sst s4  }
0xd: {  	[smem:$0x3FA4] =	sst s5  }
0xe: {  	[smem:$0x3FA5] =	sst s6  }
0xf: {  	[smem:$0x3FA6] =	sst s7  }
0x10: {  	[smem:$0x3FA7] =	sst s8  }
0x11: {  	[smem:$0x3FA8] =	sst s9;
	s0 =	simm.s32 @!p0 $0x0  }
0x12: {  	s1 =	sld [smem:$0x3F8E];
	s0 =	simm.s32 @p0 $0x1  }
0x13: {  	[smem:$0x3FA9] =	sst s0;
	s0 =	simm.s32 @!p1 $0x0  }
0x14: {  	s2 =	sld [smem:$0x3F8D];
	s0 =	simm.s32 @p1 $0x1  }
0x15: {  	[smem:$0x3FAA] =	sst s0;
	s0 =	simm.s32 @!p2 $0x0  }
0x16: {  	s3 =	sld [smem:$0x3FDB];
	s0 =	simm.s32 @p2 $0x1  }
0x17: {  	s4 =	simm.s32 $0x1BF5;
	[smem:$0x3FAC] =	sst s0  }
0x18: {  	s0 =	sld [smem:$0x3F8F];
	_ =	swait.ge [sflag:s4], $0x0  }
0x19: {  	s7 =	sld [smem:$0x3F90]  }
0x1a: {  	s8 =	sadd.s32 $0xFFFFE003, lr  }
0x1b: {  	s9 =	sadd.s32 $0xFFFFFEF7, lr;
	s5 =	simm.s32 $0xFFFFFFFF;
	p2 =	slt.u32 s8, $0xFFFFF086  }
0x1c: {  	p1 =	slt.u32 s9, $0xF7A;
	s5 =	simm.s32 @!p2 $0x0  }
0x1d: {  	s5 =	simm.s32 @p1 $0x1;
	p0 =	seq.s32 s7, s2  }
0x1e: {  	s7 =	smul.u32 @!p0 $0xF7A, s2;
	p2 =	seq.s32 @!p0 s5, $0x0  }
0x1f: {  	s9 =	smul.u32 $0xF7A, s1;
	s8 =	simm.s32 @!p0 $0x1BF5;
	p2 =	por !p2, p0  }
0x20: {  	[sflag:s8] =	ssyncset.s32 @!p0 $0xFFFFF086;
	s6 =	sadd.s32 @!p0 s3, s7;
	s7 =	simm.s32 @!p0 $0x108  }
0x21: {  	s3 =	sadd.s32 s3, s9;
	s6 =	sadd.s32 @!p0 $0x88, s6;
	s7 =	simm.s32 @p2 $0x1082  }
0x22: {  	[simem:s7], [sflag:s8] =	dma.local @!p0 [hbm:s6], $0xF7A  }
0x23: {  	s9 =	sor.u32 $0xD0000000, s2;
	s6 =	simm.s32 $0x108;
	_ =	swait.ge @!p0 [sflag:s8], $0x0  }
0x24: {  	s3 =	sadd.s32 $0x88, s3;
	s6 =	simm.s32 @!p1 $0x1082;
	[sflag:s4] =	ssyncset.s32 $0xFFFFF086  }
0x25: {  	[simem:s6], [sflag:s4] =	dma.local [hbm:s3], $0xF7A  }
0x26: {  	[smem:$0x3F90] =	sst s1;
	(tag) =	ssettag s2;
	_ =	strace s9  }
0x27: {  	s1 =	sld [smem:$0x3FA0]  }
0x28: {  	s2 =	sld [smem:$0x3FA1]  }
0x29: {  	s4 =	sld [smem:$0x3FA3]  }
0x2a: {  	p0 =	seq.s32 s5, $0x0;
	s5 =	sld [smem:$0x3FA4]  }
0x2b: {  	s6 =	sld [smem:$0x3FA5]  }
0x2c: {  	s7 =	sld [smem:$0x3FA6]  }
0x2d: {  	s3 =	simm.s32 $0x108;
	s8 =	sld [smem:$0x3FA7]  }
0x2e: {  	s3 =	simm.s32 @!p0 $0x1082;
	s9 =	sld [smem:$0x3FA8]  }
0x2f: {  	lr =	sadd.s32 s0, s3;
	s0 =	sld [smem:$0x3F9F]  }
0x30: {  	s3 =	sld [smem:$0x3FA2]  }
0x31: {  	[smem:$0x3FAB] =	sst s10  }
0x32: {  	s10 =	sld [smem:$0x3FA9];
	_ =	sdelay $0x3  }
0x33: {  	p0 =	seq.s32 s10, $0x1;
	s10 =	sld [smem:$0x3FAB];
	_ =	sdelay $0x3  }
0x34: {  	[smem:$0x3FAB] =	sst s10  }
0x35: {  	s10 =	sld [smem:$0x3FAA];
	_ =	sdelay $0x3  }
0x36: {  	p1 =	seq.s32 s10, $0x1;
	s10 =	sld [smem:$0x3FAB];
	_ =	sdelay $0x3  }
0x37: {  	[smem:$0x3FAB] =	sst s10  }
0x38: {  	s10 =	sld [smem:$0x3FAC]  }
0x39: {  	_ = 	snop;
	(pc) =	sbr.ind lr, $3  }
0x3a: {  	_ = 	snop  }
0x3b: {  	_ = 	snop  }
0x3c: {  	p2 =	seq.s32 s10, $0x1;
	s10 =	sld [smem:$0x3FAB]  }
0x3d: {  	_ =	shalt  }
0x3e: {  	_ =	shalt  }
0x3f: {  	_ =	shalt  }
0x40: {  	_ =	shalt  }
0x41: {  	_ =	shalt  }
0x42: {  	_ =	shalt  }
0x43: {  	_ =	shalt  }
0x44: {  	_ =	shalt  }
0x45: {  	_ =	shalt  }
0x46: {  	_ =	shalt  }
0x47: {  	_ =	shalt  }
0x48: {  	_ =	shalt  }
0x49: {  	_ =	shalt  }
0x4a: {  	_ =	shalt  }
0x4b: {  	_ =	shalt  }
0x4c: {  	_ =	shalt  }
0x4d: {  	_ =	shalt  }
0x4e: {  	_ =	shalt  }
0x4f: {  	_ =	shalt  }
0x50: {  	_ =	shalt  }
0x51: {  	_ =	shalt  }
0x52: {  	_ =	shalt  }
0x53: {  	_ =	shalt  }
0x54: {  	_ =	shalt  }
0x55: {  	_ =	shalt  }
0x56: {  	_ =	shalt  }
0x57: {  	_ =	shalt  }
0x58: {  	_ =	shalt  }
0x59: {  	_ =	shalt  }
0x5a: {  	_ =	shalt  }
0x5b: {  	_ =	shalt  }
0x5c: {  	_ =	shalt  }
0x5d: {  	_ =	shalt  }
0x5e: {  	_ =	shalt  }
0x5f: {  	_ =	shalt  }
0x60: {  	_ =	shalt  }
0x61: {  	_ =	shalt  }
0x62: {  	_ =	shalt  }
0x63: {  	_ =	shalt  }
0x64: {  	_ =	shalt  }
0x65: {  	_ =	shalt  }
0x66: {  	_ =	shalt  }
0x67: {  	_ =	shalt  }
0x68: {  	_ =	shalt  }
0x69: {  	_ =	shalt  }
0x6a: {  	_ =	shalt  }
0x6b: {  	_ =	shalt  }
0x6c: {  	_ =	shalt  }
0x6d: {  	_ =	shalt  }
0x6e: {  	_ =	shalt  }
0x6f: {  	_ =	shalt  }
0x70: {  	_ =	shalt  }
0x71: {  	_ =	shalt  }
0x72: {  	_ =	shalt  }
0x73: {  	_ =	shalt  }
0x74: {  	_ =	shalt  }
0x75: {  	_ =	shalt  }
0x76: {  	_ =	shalt  }
0x77: {  	_ =	shalt  }
0x78: {  	_ =	shalt  }
0x79: {  	_ =	shalt  }
0x7a: {  	_ =	shalt  }
0x7b: {  	_ =	shalt  }
0x7c: {  	_ =	shalt  }
0x7d: {  	_ =	shalt  }
0x7e: {  	_ =	shalt  }
0x7f: {  	_ =	shalt  }
0x80: {  	_ =	shalt  }
0x81: {  	_ =	shalt  }
0x82: {  	_ =	shalt  }
0x83: {  	_ =	shalt  }
0x84: {  	_ =	shalt  }
0x85: {  	_ =	shalt  }
0x86: {  	_ =	shalt  }
0x87: {  	_ =	shalt  }
.Lfunc_end0:
.L_simem_size_0:
called_computation_lowered:
.L_overlay_start_0:
0x88: {  	s2 =	sld [smem:$0x3FD9]  }
0x89: {  	s3 =	sld [smem:$0x3FFE];
	_ =	sdelay $0x1  }
0x8a: {  	s1 =	srdreg.scid  }
0x8b: {  	s0 =	sand.u32 $0x1, s1  }
0x8c: {  	s16 =	sshll.u32 s0, $0xA;
	s2 =	sadd.s32 s3, s2  }
0x8d: {  	s2 =	sadd.s32 s2, s16  }
0x8e: {  	[smem:$0x3FB7] =	sst s2  }
0x8f: {  	_ = 	snop  }
0x90: {  	(tm) =	ssettm $0x1  }
0x91: {  	s17 =	sld [smem:$0x3FFB];
	_ =	sdelay $0x3  }
0x92: {  	_ =	strace s17  }
0x93: {  	s2 =	sld [smem:$0x3FFC];
	_ =	sdelay $0x3  }
0x94: {  	_ =	strace s2  }
0x95: {  	s2 =	sld [smem:$0x3FFD];
	_ =	sdelay $0x3  }
0x96: {  	_ =	strace s2  }
0x97: {  	_ =	strace $0x8FFFFFFF  }
0x98: {  	s18 =	sld [smem:$0x3FDB];
	_ =	sdelay $0x1  }
0x99: {  	s19 =	simm.s32 $_scs_section_size  }
0x9a: {  	s4 =	simm.s32 $_size__tile_overlayer_lowered;
	s5 =	simm.s32 $_tile_overlayer_lowered  }
0x9b: {  	s22 =	simm.s32 $0x1BFF;
	s21 =	sshll.u32 s5, $0x1;
	s2 =	sadd.s32 s19, s18  }
0x9c: {  	s6 =	simm.s32 $0x0;
	s20 =	sshll.u32 s4, $0x1;
	s4 =	sadd.s32 s21, s2  }
0x9d: {  	[timem:s6], [sflag:s22] =	dma.local [hbm:s4], s20  }
0x9e: {  	_ =	swait.ge [sflag:s22], s20  }
0x9f: {  	s3 =	ssub.s32 $0x0, s20;
	[sflag:s22] =	ssyncset.done $0x0  }
0xa0: {  	[sflag:s22] =	ssyncadd.s32 s3;
	_ =	sdelay $0x1  }
0xa1: {  	s23 =	simm.s32 $0x1B8B  }
0xa2: {  	_ =	swait.ge [sflag:s23], $0x1  }
0xa3: {  	[sflag:s23] =	ssyncset.done $0x0  }
0xa4: {  	s25 =	simm.s32 $0x1B8E;
	s24 =	sld [smem:$0x3FFE];
	[sflag:s23] =	ssyncadd.s32 $0xFFFFFFFF  }
0xa5: {  	s26 =	simm.s32 $execute0_lowered;
	[smem:$0x3FD2] =	sst s25  }
0xa6: {  	s4 =	sshll.u32 s26, $0x1;
	_ =	strace $0x80000046;
	[dreg:$0x1] =	wrdreg $0xFFFFFFFF  }
0xa7: {  	s28 =	simm.s32 $_size_execute0_lowered;
	s2 =	sadd.s32 s2, s4;
	[dreg:$0x0] =	wrdreg $0x0  }
0xa8: {  	s4 =	sshll.u32 s28, $0x1;
	[dreg:$0x2] =	wrdreg s2  }
0xa9: {  	[dreg:$0x3] =	wrdreg s4  }
0xaa: {  	[dreg:$0x4] =	wrdreg $0xC0  }
0xab: {  	_ =	task [dreg:s6], $0x5FFFF  }
0xac: {  	[dreg:$0x1] =	wrdreg $0xFFFFFFFF  }
0xad: {  	[dreg:$0x0] =	wrdreg $0x60  }
0xae: {  	[dreg:$0x2] =	wrdreg s24  }
0xaf: {  	[dreg:$0x3] =	wrdreg $0x128000  }
0xb0: {  	[dreg:$0x4] =	wrdreg $0x9  }
0xb1: {  	_ =	task.clear_ibuf [dreg:s6], $0x5FFFF;
	_ =	strace $0x90000046  }
0xb2: {  	s29 =	simm.s32 $0x9;
	_ =	strace $0x80000048  }
0xb3: {  	_ =	swait.ge [sflag:s29], $0x1  }
0xb4: {  	[sflag:s29] =	ssyncadd.s32 $0xFFFFFFFF  }
0xb5: {  	_ =	strace $0x90000048  }
0xb6: {  	_ =	sfence  }
0xb7: {  	s30 =	sld [smem:$0x0];
	_ =	sdelay $0x2  }
0xb8: {  	s31 =	sshll.u32 s1, $0xD;
	s1 =	sshrl.u32 s1, $0x2  }
0xb9: {  	s3 =	sand.u32 $0x4000, s31;
	s1 =	sadd.s32 s1, s30  }
0xba: {  	s0 =	sor.u32 s3, s0;
	s1 =	sshll.u32 s1, $0x11  }
0xbb: {  	s0 =	sor.u32 s1, s0  }
0xbc: {  	s0 =	sadd.s32 $0x8F2B, s0  }
0xbd: {  	[sflag:s0] =	ssyncadd.remote.s32 $0x1  }
0xbe: {  	_ =	sfence.sel $0xFFFF  }
0xbf: {  	[dreg:$0x0] =	wrdreg $0xFFFFFFFF;
	(pc) =	sbr.abs _section_cstart, $3  }
0xc0: {  	[dreg:$0x1] =	wrdreg $0xFFFFFFFF  }
0xc1: {  	_ =	task.clear_ibuf [dreg:s6], $0x2FFFF;
	_ =	strace $0x9FFFFFFF  }
0xc2: {  	(tm) =	ssettm $0x7FFFFFFF  }
0xc3: {  	_ =	shalt  }
tec
execute0_lowered:
.L_overlay_start_1:
0x0: {  	(tag) =	ssettag $0x1  }
0x1: {  	s5 =	rddreg [dreg:$0x0]  }
0x2: {  	s2 =	rddreg [dreg:$0x1];
	s3 =	simm.s32 $0x0  }
0x3: {  	s11 =	simm.s32 $0x200;
	[smem:$0x7FF] =	sst s3  }
0x4: {  	s12 =	simm.s32 $0x280;
	_ =	strace $0x80000047;
	[dreg:$0x11] =	wrdreg s11  }
0x5: {  	s13 =	simm.s32 $0x300;
	[dreg:$0x12] =	wrdreg s12  }
0x6: {  	s14 =	simm.s32 $0x380;
	[dreg:$0x13] =	wrdreg s13  }
0x7: {  	s15 =	simm.s32 $0x400;
	[dreg:$0x14] =	wrdreg s14  }
0x8: {  	s16 =	simm.s32 $0x480;
	[dreg:$0x15] =	wrdreg s15  }
0x9: {  	s17 =	simm.s32 $0x500;
	[dreg:$0x16] =	wrdreg s16  }
0xa: {  	s18 =	simm.s32 $0x580;
	[dreg:$0x17] =	wrdreg s17  }
0xb: {  	s19 =	simm.s32 $0x600;
	[dreg:$0x18] =	wrdreg s18  }
0xc: {  	s20 =	simm.s32 $0x680;
	[dreg:$0x19] =	wrdreg s19  }
0xd: {  	[dreg:$0x1a] =	wrdreg s20;
	s11 =	simm.s32 $0xD00  }
0xe: {  	s12 =	simm.s32 $0xD80;
	[smem:$0x7CB] =	sst s11  }
0xf: {  	s13 =	simm.s32 $0xE00;
	[smem:$0x7CC] =	sst s12  }
0x10: {  	s14 =	simm.s32 $0xE80;
	[smem:$0x7CD] =	sst s13  }
0x11: {  	s15 =	simm.s32 $0xF00;
	[smem:$0x7CE] =	sst s14  }
0x12: {  	s16 =	simm.s32 $0xF80;
	[smem:$0x7CF] =	sst s15  }
0x13: {  	s17 =	simm.s32 $0x1000;
	[smem:$0x7D0] =	sst s16  }
0x14: {  	s18 =	simm.s32 $0x1080;
	[smem:$0x7D1] =	sst s17  }
0x15: {  	s19 =	simm.s32 $0x1100;
	[smem:$0x7D2] =	sst s18  }
0x16: {  	s20 =	simm.s32 $0x1180;
	[smem:$0x7D3] =	sst s19  }
0x17: {  	[smem:$0x7D4] =	sst s20;
	s11 =	simm.s32 $0x1800  }
0x18: {  	s12 =	simm.s32 $0x1880;
	[smem:$0x7E1] =	sst s11  }
0x19: {  	s13 =	simm.s32 $0x1900;
	[smem:$0x7E2] =	sst s12  }
0x1a: {  	s0 =	srdreg.scid;
	s14 =	simm.s32 $0x1980;
	[smem:$0x7E3] =	sst s13  }
0x1b: {  	s28 =	stileid.u32;
	s15 =	simm.s32 $0x1A00;
	[smem:$0x7E4] =	sst s14  }
0x1c: {  	s1 =	sand.u32 $0x1, s0;
	s17 =	simm.s32 $0x1A80;
	[smem:$0x7E5] =	sst s15  }
0x1d: {  	s4 =	smul.u32 $0x5000, s28;
	s18 =	simm.s32 $0x1B00;
	[smem:$0x7E6] =	sst s17  }
0x1e: {  	s8 =	sadd.s32 $0x2000, s5;
	s20 =	simm.s32 $0x1B80;
	[smem:$0x7E7] =	sst s18  }
0x1f: {  	s0 =	sshll.u32 s1, $0x4;
	[smem:$0x7E8] =	sst s20;
	s12 =	simm.s32 $0x1F80  }
0x20: {  	s7 =	smul.u32 $0x50000, s1;
	s13 =	simm.s32 $0x2000;
	[smem:$0x7F0] =	sst s12  }
0x21: {  	s1 =	ssub.s32 $0x2, s1;
	s14 =	simm.s32 $0x2080;
	[smem:$0x7F1] =	sst s13  }
0x22: {  	s16 =	sshrl.u32 s1, $0x1;
	s15 =	simm.s32 $0x2100;
	[smem:$0x7F2] =	sst s14  }
0x23: {  	s1 =	ssub.s32 s1, s16;
	s16 =	simm.s32 $0x2180;
	[smem:$0x7F3] =	sst s15  }
0x24: {  	s0 =	sor.u32 s28, s0;
	s17 =	simm.s32 $0x2200;
	[smem:$0x7F4] =	sst s16  }
0x25: {  	s9 =	sshrl.u32 s4, $0x3;
	s18 =	simm.s32 $0x2280;
	[smem:$0x7F5] =	sst s17  }
0x26: {  	s9 =	sadd.s32 s9, s5;
	s20 =	simm.s32 $0x2380;
	[smem:$0x7F6] =	sst s18  }
0x27: {  	s10 =	smul.u32 $0xA000, s0;
	s21 =	sadd.s32 $0x142000, s9;
	[smem:$0x7F8] =	sst s20  }
0x28: {  	s6 =	smul.u32 $0x500, s0;
	s9 =	simm.s32 $0x100;
	[dreg:$0x3] =	wrdreg s21  }
0x29: {  	s31 =	sadd.s32 s8, s10;
	[dreg:$0xf] =	wrdreg s9;
	s10 =	simm.s32 $0x180  }
0x2a: {  	s7 =	sadd.s32 s4, s7;
	s21 =	simm.s32 $0x700;
	[dreg:$0x10] =	wrdreg s10  }
0x2b: {  	s6 =	sadd.s32 s6, s5;
	s9 =	simm.s32 $0xC00;
	[dreg:$0x1b] =	wrdreg s21  }
0x2c: {  	s7 =	sshrl.u32 s7, $0x3;
	s6 =	sadd.s32 $0x282000, s6;
	[smem:$0x7C9] =	sst s9  }
0x2d: {  	s5 =	sadd.s32 s7, s5;
	s22 =	sadd.s32 $0x1000, s31;
	[dreg:$0x4] =	wrdreg s6  }
0x2e: {  	s0 =	smul.u32 $0x50000, s0;
	s5 =	sadd.s32 $0x14C000, s5;
	[dreg:$0x5] =	wrdreg s22  }
0x2f: {  	s10 =	simm.s32 $0xC80;
	[dreg:$0x6] =	wrdreg s5  }
0x30: {  	s0 =	sshrl.u32 s0, $0x3;
	s21 =	simm.s32 $0x1200;
	[smem:$0x7CA] =	sst s10  }
0x31: {  	s0 =	sadd.s32 s8, s0;
	s9 =	simm.s32 $0x1700;
	[smem:$0x7D5] =	sst s21  }
0x32: {  	s23 =	sadd.s32 $0x2000, s0;
	[smem:$0x7DF] =	sst s9  }
0x33: {  	s24 =	sadd.s32 $0x3000, s0;
	[dreg:$0x7] =	wrdreg s23  }
0x34: {  	s25 =	sadd.s32 $0x4000, s0;
	[dreg:$0x8] =	wrdreg s24  }
0x35: {  	s26 =	sadd.s32 $0x5000, s0;
	[dreg:$0x9] =	wrdreg s25  }
0x36: {  	s6 =	sadd.s32 $0x6000, s0;
	[dreg:$0xa] =	wrdreg s26  }
0x37: {  	s7 =	sadd.s32 $0x7000, s0;
	[dreg:$0xb] =	wrdreg s6  }
0x38: {  	s8 =	sadd.s32 $0x8000, s0;
	[dreg:$0xc] =	wrdreg s7  }
0x39: {  	s0 =	sadd.s32 $0x9000, s0;
	[dreg:$0xd] =	wrdreg s8  }
0x3a: {  	s22 =	simm.s32 $0x780;
	[dreg:$0xe] =	wrdreg s0  }
0x3b: {  	s5 =	simm.s32 $0xA00;
	[dreg:$0x1c] =	wrdreg s22  }
0x3c: {  	s10 =	simm.s32 $0x1780;
	[smem:$0x7C5] =	sst s5  }
0x3d: {  	s9 =	simm.s32 $0x1F00;
	[smem:$0x7E0] =	sst s10  }
0x3e: {  	[smem:$0x7EF] =	sst s9  }
0x3f: {  	s23 =	simm.s32 $0x800;
	s0 =	rddreg [dreg:$0x3]  }
0x40: {  	p0 =	por $0x0, $0x0;
	s24 =	simm.s32 $0x880;
	[dreg:$0x1d] =	wrdreg s23  }
0x41: {  	s30 =	simm.s32 $0x2700;
	s25 =	simm.s32 $0x900;
	[dreg:$0x1e] =	wrdreg s24  }
0x42: {  	s29 =	simm.s32 $0x2780;
	s26 =	simm.s32 $0x980;
	[dreg:$0x1f] =	wrdreg s25  }
0x43: {  	s19 =	sadd.s32 s4, s2;
	s6 =	simm.s32 $0xA80;
	[smem:$0x7C4] =	sst s26  }
0x44: {  	s11 =	simm.s32 $0x1;
	s7 =	simm.s32 $0xB00;
	[smem:$0x7C6] =	sst s6  }
0x45: {  	s1 =	smax.u32 s1, $0x1;
	s8 =	simm.s32 $0xB80;
	[smem:$0x7C7] =	sst s7  }
0x46: {  	s12 =	simm.s32 $0x3800;
	s22 =	simm.s32 $0x1280;
	[smem:$0x7C8] =	sst s8  }
0x47: {  	s13 =	simm.s32 $0x4800;
	s5 =	simm.s32 $0x1500;
	[smem:$0x7D6] =	sst s22  }
0x48: {  	s14 =	simm.s32 $0x5800;
	s23 =	simm.s32 $0x1300;
	[smem:$0x7DB] =	sst s5  }
0x49: {  	s15 =	simm.s32 $0x6800;
	s24 =	simm.s32 $0x1380;
	[smem:$0x7D7] =	sst s23  }
0x4a: {  	s16 =	simm.s32 $0x7800;
	s25 =	simm.s32 $0x1400;
	[smem:$0x7D8] =	sst s24  }
0x4b: {  	s17 =	simm.s32 $0x8800;
	s26 =	simm.s32 $0x1480;
	[smem:$0x7D9] =	sst s25  }
0x4c: {  	s18 =	simm.s32 $0xB800;
	s6 =	simm.s32 $0x1580;
	[smem:$0x7DA] =	sst s26  }
0x4d: {  	s20 =	simm.s32 $0xC800;
	s7 =	simm.s32 $0x1600;
	[smem:$0x7DC] =	sst s6  }
0x4e: {  	p1 =	sne.s32 s1, $0x1;
	s8 =	simm.s32 $0x1680;
	[smem:$0x7DD] =	sst s7  }
0x4f: {  	s1 =	sadd.s32 $0xFFFFFFFF, s1;
	s22 =	simm.s32 $0x1C00;
	[smem:$0x7DE] =	sst s8  }
0x50: {  	s5 =	sshrl.u32 s19, $0x3;
	s19 =	simm.s32 $0x2300;
	[smem:$0x7E9] =	sst s22  }
0x51: {  	s21 =	sshll.u32 s28, $0x6;
	s23 =	simm.s32 $0x1C80;
	[smem:$0x7F7] =	sst s19  }
0x52: {  	s4 =	sor.u32 $0x1C04, s21;
	s24 =	simm.s32 $0x1D00;
	[smem:$0x7EA] =	sst s23  }
0x53: {  	s10 =	simm.s32 $0x2800;
	s25 =	simm.s32 $0x1D80;
	[smem:$0x7EB] =	sst s24  }
0x54: {  	s21 =	simm.s32 $0x9800;
	s26 =	simm.s32 $0x1E00;
	[smem:$0x7EC] =	sst s25  }
0x55: {  	s9 =	simm.s32 $0x3;
	s7 =	simm.s32 $0x1E80;
	[smem:$0x7ED] =	sst s26  }
0x56: {  	s6 =	simm.s32 $0x4;
	s22 =	simm.s32 $0x2400;
	[smem:$0x7EE] =	sst s7  }
0x57: {  	s8 =	simm.s32 $0xA800;
	[smem:$0x7F9] =	sst s22;
	s23 =	simm.s32 $0x2480  }
.Ltmp0:
0x58: {  	s24 =	simm.s32 $0x2500;
	[smem:$0x7FA] =	sst s23;
	(pc) =	sbr.rel @!p1 .LBB2_1-.Ltmp0, $4  }
0x59: {  	s19 =	simm.s32 $0x2;
	s25 =	simm.s32 $0x2580;
	[smem:$0x7FB] =	sst s24  }
0x5a: {  	s7 =	simm.s32 $0x80;
	s26 =	simm.s32 $0x2600;
	[smem:$0x7FC] =	sst s25  }
0x5b: {  	s22 =	simm.s32 $0xD800;
	[smem:$0x7FD] =	sst s26;
	s23 =	simm.s32 $0xE800  }
0x5c: {  	s24 =	simm.s32 $0xF800;
	s25 =	simm.s32 $0x10800;
	s26 =	simm.s32 $0x11800  }
0x5d: {  	[spmem:s5], [sflag:s4] =	dma.local [hbm:s0], $0xA00  }
0x5e: {  	_ =	swait.ge [sflag:s6], $0xA00  }
0x5f: {  	[sflag:s6] =	ssyncset.done $0x0  }
0x60: {  	s28 =	rddreg [dreg:$0x4];
	[sflag:s6] =	ssyncadd.s32 $0xFFFFF600  }
0x61: {  	[tilespmem:s3], [sflag:$0x4] =	stream.linear.gather [hbm4b:s28+s3], $0x2800, $0x38;
	[tilespmem:$0x17800] =	vst v63  }
0x62: {  	_ =	swait.ge [sflag:s6], $0x2800  }
0x63: {  	[sflag:s6] =	ssyncset.done $0x0  }
0x64: {  	[sflag:s6] =	ssyncadd.s32 $0xFFFFD800  }
0x65: {  	[bflag:$0x0] =	sbarrier.arrive $0xFFFF  }
0x66: {  	[tilespmem:s10], [sflag:$0x1] =	stream.linear.gather [hbm4b:s31+s3], $0x8000, $0x38;
	[tilespmem:$0x17800] =	vst v63  }
0x67: {  	s28 =	rddreg [dreg:$0x5]  }
0x68: {  	[tilespmem:s8], [sflag:$0x2] =	stream.linear.gather [hbm4b:s28+s3], $0x8000, $0x38;
	[tilespmem:$0x17800] =	vst v63  }
0x69: {  	_ =	swait.ge [sflag:s11], $0x8000  }
0x6a: {  	[sflag:s11] =	ssyncset.done $0x0  }
0x6b: {  	[sflag:s11] =	ssyncadd.s32 $0xFFFF8000  }
0x6c: {  	[spmem:s2] =	stream.indirect.scatter.add.f32 [tilespmem:s10], [sflag:$0x3], $0x20, s3, s7, $0xb8;
	[tilespmem:$0x17800] =	vst v63  }
0x6d: {  	_ = 	snop  }
0x6e: {  	[spmem:s2] =	stream.indirect.scatter.add.f32 [tilespmem:s12], [sflag:$0x3], $0x20, s7, s7, $0xb8;
	[tilespmem:$0x17800] =	vst v63  }
0x6f: {  	s0 =	rddreg [dreg:$0xf]  }
0x70: {  	[spmem:s2] =	stream.indirect.scatter.add.f32 [tilespmem:s13], [sflag:$0x3], $0x20, s0, s7, $0xb8;
	[tilespmem:$0x17800] =	vst v63  }
0x71: {  	s28 =	smov.u32 s1;
	s1 =	rddreg [dreg:$0x10]  }
0x72: {  	[spmem:s2] =	stream.indirect.scatter.add.f32 [tilespmem:s14], [sflag:$0x3], $0x20, s1, s7, $0xb8;
	[tilespmem:$0x17800] =	vst v63  }
0x73: {  	s0 =	rddreg [dreg:$0x11]  }
0x74: {  	[spmem:s2] =	stream.indirect.scatter.add.f32 [tilespmem:s15], [sflag:$0x3], $0x20, s0, s7, $0xb8;
	[tilespmem:$0x17800] =	vst v63  }
0x75: {  	s1 =	rddreg [dreg:$0x12]  }
0x76: {  	[spmem:s2] =	stream.indirect.scatter.add.f32 [tilespmem:s16], [sflag:$0x3], $0x20, s1, s7, $0xb8;
	[tilespmem:$0x17800] =	vst v63  }
0x77: {  	s0 =	rddreg [dreg:$0x13]  }
0x78: {  	[spmem:s2] =	stream.indirect.scatter.add.f32 [tilespmem:s17], [sflag:$0x3], $0x20, s0, s7, $0xb8;
	[tilespmem:$0x17800] =	vst v63  }
0x79: {  	s1 =	rddreg [dreg:$0x14]  }
0x7a: {  	[spmem:s2] =	stream.indirect.scatter.add.f32 [tilespmem:s21], [sflag:$0x3], $0x20, s1, s7, $0xb8;
	[tilespmem:$0x17800] =	vst v63  }
0x7b: {  	_ =	swait.ge [sflag:s9], $0x8000  }
0x7c: {  	[sflag:s9] =	ssyncset.done $0x0  }
0x7d: {  	s1 =	rddreg [dreg:$0x7];
	[sflag:s9] =	ssyncadd.s32 $0xFFFF8000  }
0x7e: {  	[tilespmem:s10], [sflag:$0x1] =	stream.linear.gather [hbm4b:s1+s3], $0x8000, $0x38;
	[tilespmem:$0x17800] =	vst v63  }
0x7f: {  	_ =	swait.ge [sflag:s19], $0x8000  }
0x80: {  	[sflag:s19] =	ssyncset.done $0x0  }
0x81: {  	s0 =	rddreg [dreg:$0x15];
	[sflag:s19] =	ssyncadd.s32 $0xFFFF8000  }
0x82: {  	[spmem:s2] =	stream.indirect.scatter.add.f32 [tilespmem:s8], [sflag:$0x3], $0x20, s0, s7, $0xb8;
	[tilespmem:$0x17800] =	vst v63  }
0x83: {  	s1 =	rddreg [dreg:$0x16]  }
0x84: {  	[spmem:s2] =	stream.indirect.scatter.add.f32 [tilespmem:s18], [sflag:$0x3], $0x20, s1, s7, $0xb8;
	[tilespmem:$0x17800] =	vst v63  }
0x85: {  	s0 =	rddreg [dreg:$0x17]  }
0x86: {  	[spmem:s2] =	stream.indirect.scatter.add.f32 [tilespmem:s20], [sflag:$0x3], $0x20, s0, s7, $0xb8;
	[tilespmem:$0x17800] =	vst v63  }
0x87: {  	s1 =	rddreg [dreg:$0x18]  }
0x88: {  	[spmem:s2] =	stream.indirect.scatter.add.f32 [tilespmem:s22], [sflag:$0x3], $0x20, s1, s7, $0xb8;
	[tilespmem:$0x17800] =	vst v63  }
0x89: {  	s0 =	rddreg [dreg:$0x19]  }
0x8a: {  	[spmem:s2] =	stream.indirect.scatter.add.f32 [tilespmem:s23], [sflag:$0x3], $0x20, s0, s7, $0xb8;
	[tilespmem:$0x17800] =	vst v63  }
0x8b: {  	s1 =	rddreg [dreg:$0x1a]  }
0x8c: {  	[spmem:s2] =	stream.indirect.scatter.add.f32 [tilespmem:s24], [sflag:$0x3], $0x20, s1, s7, $0xb8;
	[tilespmem:$0x17800] =	vst v63  }
0x8d: {  	s0 =	rddreg [dreg:$0x1b]  }
0x8e: {  	[spmem:s2] =	stream.indirect.scatter.add.f32 [tilespmem:s25], [sflag:$0x3], $0x20, s0, s7, $0xb8;
	[tilespmem:$0x17800] =	vst v63  }
0x8f: {  	s1 =	rddreg [dreg:$0x1c]  }
0x90: {  	[spmem:s2] =	stream.indirect.scatter.add.f32 [tilespmem:s26], [sflag:$0x3], $0x20, s1, s7, $0xb8;
	[tilespmem:$0x17800] =	vst v63  }
0x91: {  	_ =	swait.ge [sflag:s9], $0x8000  }
0x92: {  	[sflag:s9] =	ssyncset.done $0x0  }
0x93: {  	s1 =	rddreg [dreg:$0x8];
	[sflag:s9] =	ssyncadd.s32 $0xFFFF8000  }
0x94: {  	[tilespmem:s8], [sflag:$0x2] =	stream.linear.gather [hbm4b:s1+s3], $0x8000, $0x38;
	[tilespmem:$0x17800] =	vst v63  }
0x95: {  	_ =	swait.ge [sflag:s11], $0x8000  }
0x96: {  	s0 =	rddreg [dreg:$0x1d];
	[sflag:s11] =	ssyncset.done $0x0  }
0x97: {  	s1 =	rddreg [dreg:$0x1e];
	[sflag:s11] =	ssyncadd.s32 $0xFFFF8000  }
0x98: {  	[spmem:s2] =	stream.indirect.scatter.add.f32 [tilespmem:s10], [sflag:$0x3], $0x20, s0, s7, $0xb8;
	[tilespmem:$0x17800] =	vst v63  }
0x99: {  	s0 =	rddreg [dreg:$0x1f]  }
0x9a: {  	[spmem:s2] =	stream.indirect.scatter.add.f32 [tilespmem:s12], [sflag:$0x3], $0x20, s1, s7, $0xb8;
	[tilespmem:$0x17800] =	vst v63  }
0x9b: {  	s1 =	sld [smem:$0x7C4]  }
0x9c: {  	[spmem:s2] =	stream.indirect.scatter.add.f32 [tilespmem:s13], [sflag:$0x3], $0x20, s0, s7, $0xb8;
	[tilespmem:$0x17800] =	vst v63  }
0x9d: {  	s0 =	sld [smem:$0x7C5]  }
0x9e: {  	[spmem:s2] =	stream.indirect.scatter.add.f32 [tilespmem:s14], [sflag:$0x3], $0x20, s1, s7, $0xb8;
	[tilespmem:$0x17800] =	vst v63  }
0x9f: {  	s1 =	sld [smem:$0x7C6]  }
0xa0: {  	[spmem:s2] =	stream.indirect.scatter.add.f32 [tilespmem:s15], [sflag:$0x3], $0x20, s0, s7, $0xb8;
	[tilespmem:$0x17800] =	vst v63  }
0xa1: {  	s0 =	sld [smem:$0x7C7]  }
0xa2: {  	[spmem:s2] =	stream.indirect.scatter.add.f32 [tilespmem:s16], [sflag:$0x3], $0x20, s1, s7, $0xb8;
	[tilespmem:$0x17800] =	vst v63  }
0xa3: {  	s1 =	sld [smem:$0x7C8]  }
0xa4: {  	[spmem:s2] =	stream.indirect.scatter.add.f32 [tilespmem:s17], [sflag:$0x3], $0x20, s0, s7, $0xb8;
	[tilespmem:$0x17800] =	vst v63  }
0xa5: {  	_ = 	snop  }
0xa6: {  	[spmem:s2] =	stream.indirect.scatter.add.f32 [tilespmem:s21], [sflag:$0x3], $0x20, s1, s7, $0xb8;
	[tilespmem:$0x17800] =	vst v63  }
0xa7: {  	_ =	swait.ge [sflag:s9], $0x8000  }
0xa8: {  	[sflag:s9] =	ssyncset.done $0x0  }
0xa9: {  	s1 =	rddreg [dreg:$0x9];
	[sflag:s9] =	ssyncadd.s32 $0xFFFF8000  }
0xaa: {  	[tilespmem:s10], [sflag:$0x1] =	stream.linear.gather [hbm4b:s1+s3], $0x8000, $0x38;
	[tilespmem:$0x17800] =	vst v63  }
0xab: {  	_ =	swait.ge [sflag:s19], $0x8000  }
0xac: {  	s0 =	sld [smem:$0x7C9]  }
0xad: {  	[sflag:s19] =	ssyncset.done $0x0  }
0xae: {  	s1 =	sld [smem:$0x7CA];
	[sflag:s19] =	ssyncadd.s32 $0xFFFF8000  }
0xaf: {  	[spmem:s2] =	stream.indirect.scatter.add.f32 [tilespmem:s8], [sflag:$0x3], $0x20, s0, s7, $0xb8;
	[tilespmem:$0x17800] =	vst v63  }
0xb0: {  	s0 =	sld [smem:$0x7CB]  }
0xb1: {  	[spmem:s2] =	stream.indirect.scatter.add.f32 [tilespmem:s18], [sflag:$0x3], $0x20, s1, s7, $0xb8;
	[tilespmem:$0x17800] =	vst v63  }
0xb2: {  	s1 =	sld [smem:$0x7CC]  }
0xb3: {  	[spmem:s2] =	stream.indirect.scatter.add.f32 [tilespmem:s20], [sflag:$0x3], $0x20, s0, s7, $0xb8;
	[tilespmem:$0x17800] =	vst v63  }
0xb4: {  	s0 =	sld [smem:$0x7CD]  }
0xb5: {  	[spmem:s2] =	stream.indirect.scatter.add.f32 [tilespmem:s22], [sflag:$0x3], $0x20, s1, s7, $0xb8;
	[tilespmem:$0x17800] =	vst v63  }
0xb6: {  	s1 =	sld [smem:$0x7CE]  }
0xb7: {  	[spmem:s2] =	stream.indirect.scatter.add.f32 [tilespmem:s23], [sflag:$0x3], $0x20, s0, s7, $0xb8;
	[tilespmem:$0x17800] =	vst v63  }
0xb8: {  	s0 =	sld [smem:$0x7CF]  }
0xb9: {  	[spmem:s2] =	stream.indirect.scatter.add.f32 [tilespmem:s24], [sflag:$0x3], $0x20, s1, s7, $0xb8;
	[tilespmem:$0x17800] =	vst v63  }
0xba: {  	s1 =	sld [smem:$0x7D0]  }
0xbb: {  	[spmem:s2] =	stream.indirect.scatter.add.f32 [tilespmem:s25], [sflag:$0x3], $0x20, s0, s7, $0xb8;
	[tilespmem:$0x17800] =	vst v63  }
0xbc: {  	_ = 	snop  }
0xbd: {  	[spmem:s2] =	stream.indirect.scatter.add.f32 [tilespmem:s26], [sflag:$0x3], $0x20, s1, s7, $0xb8;
	[tilespmem:$0x17800] =	vst v63  }
0xbe: {  	_ =	swait.ge [sflag:s9], $0x8000  }
0xbf: {  	[sflag:s9] =	ssyncset.done $0x0  }
0xc0: {  	s1 =	rddreg [dreg:$0xa];
	[sflag:s9] =	ssyncadd.s32 $0xFFFF8000  }
0xc1: {  	[tilespmem:s8], [sflag:$0x2] =	stream.linear.gather [hbm4b:s1+s3], $0x8000, $0x38;
	[tilespmem:$0x17800] =	vst v63  }
0xc2: {  	_ =	swait.ge [sflag:s11], $0x8000  }
0xc3: {  	s0 =	sld [smem:$0x7D1]  }
0xc4: {  	[sflag:s11] =	ssyncset.done $0x0  }
0xc5: {  	s1 =	sld [smem:$0x7D2];
	[sflag:s11] =	ssyncadd.s32 $0xFFFF8000  }
0xc6: {  	[spmem:s2] =	stream.indirect.scatter.add.f32 [tilespmem:s10], [sflag:$0x3], $0x20, s0, s7, $0xb8;
	[tilespmem:$0x17800] =	vst v63  }
0xc7: {  	s0 =	sld [smem:$0x7D3]  }
0xc8: {  	[spmem:s2] =	stream.indirect.scatter.add.f32 [tilespmem:s12], [sflag:$0x3], $0x20, s1, s7, $0xb8;
	[tilespmem:$0x17800] =	vst v63  }
0xc9: {  	s1 =	sld [smem:$0x7D4]  }
0xca: {  	[spmem:s2] =	stream.indirect.scatter.add.f32 [tilespmem:s13], [sflag:$0x3], $0x20, s0, s7, $0xb8;
	[tilespmem:$0x17800] =	vst v63  }
0xcb: {  	s0 =	sld [smem:$0x7D5]  }
0xcc: {  	[spmem:s2] =	stream.indirect.scatter.add.f32 [tilespmem:s14], [sflag:$0x3], $0x20, s1, s7, $0xb8;
	[tilespmem:$0x17800] =	vst v63  }
0xcd: {  	s1 =	sld [smem:$0x7D6]  }
0xce: {  	[spmem:s2] =	stream.indirect.scatter.add.f32 [tilespmem:s15], [sflag:$0x3], $0x20, s0, s7, $0xb8;
	[tilespmem:$0x17800] =	vst v63  }
0xcf: {  	s0 =	sld [smem:$0x7D7]  }
0xd0: {  	[spmem:s2] =	stream.indirect.scatter.add.f32 [tilespmem:s16], [sflag:$0x3], $0x20, s1, s7, $0xb8;
	[tilespmem:$0x17800] =	vst v63  }
0xd1: {  	s1 =	sld [smem:$0x7D8]  }
0xd2: {  	[spmem:s2] =	stream.indirect.scatter.add.f32 [tilespmem:s17], [sflag:$0x3], $0x20, s0, s7, $0xb8;
	[tilespmem:$0x17800] =	vst v63  }
0xd3: {  	_ = 	snop  }
0xd4: {  	[spmem:s2] =	stream.indirect.scatter.add.f32 [tilespmem:s21], [sflag:$0x3], $0x20, s1, s7, $0xb8;
	[tilespmem:$0x17800] =	vst v63  }
0xd5: {  	_ =	swait.ge [sflag:s9], $0x8000  }
0xd6: {  	[sflag:s9] =	ssyncset.done $0x0  }
0xd7: {  	s1 =	rddreg [dreg:$0xb];
	[sflag:s9] =	ssyncadd.s32 $0xFFFF8000  }
0xd8: {  	[tilespmem:s10], [sflag:$0x1] =	stream.linear.gather [hbm4b:s1+s3], $0x8000, $0x38;
	[tilespmem:$0x17800] =	vst v63  }
0xd9: {  	_ =	swait.ge [sflag:s19], $0x8000  }
0xda: {  	s0 =	sld [smem:$0x7D9]  }
0xdb: {  	[sflag:s19] =	ssyncset.done $0x0  }
0xdc: {  	s1 =	sld [smem:$0x7DA];
	[sflag:s19] =	ssyncadd.s32 $0xFFFF8000  }
0xdd: {  	[spmem:s2] =	stream.indirect.scatter.add.f32 [tilespmem:s8], [sflag:$0x3], $0x20, s0, s7, $0xb8;
	[tilespmem:$0x17800] =	vst v63  }
0xde: {  	s0 =	sld [smem:$0x7DB]  }
0xdf: {  	[spmem:s2] =	stream.indirect.scatter.add.f32 [tilespmem:s18], [sflag:$0x3], $0x20, s1, s7, $0xb8;
	[tilespmem:$0x17800] =	vst v63  }
0xe0: {  	s1 =	sld [smem:$0x7DC]  }
0xe1: {  	[spmem:s2] =	stream.indirect.scatter.add.f32 [tilespmem:s20], [sflag:$0x3], $0x20, s0, s7, $0xb8;
	[tilespmem:$0x17800] =	vst v63  }
0xe2: {  	s0 =	sld [smem:$0x7DD]  }
0xe3: {  	[spmem:s2] =	stream.indirect.scatter.add.f32 [tilespmem:s22], [sflag:$0x3], $0x20, s1, s7, $0xb8;
	[tilespmem:$0x17800] =	vst v63  }
0xe4: {  	s1 =	sld [smem:$0x7DE]  }
0xe5: {  	[spmem:s2] =	stream.indirect.scatter.add.f32 [tilespmem:s23], [sflag:$0x3], $0x20, s0, s7, $0xb8;
	[tilespmem:$0x17800] =	vst v63  }
0xe6: {  	s0 =	sld [smem:$0x7DF]  }
0xe7: {  	[spmem:s2] =	stream.indirect.scatter.add.f32 [tilespmem:s24], [sflag:$0x3], $0x20, s1, s7, $0xb8;
	[tilespmem:$0x17800] =	vst v63  }
0xe8: {  	s1 =	sld [smem:$0x7E0]  }
0xe9: {  	[spmem:s2] =	stream.indirect.scatter.add.f32 [tilespmem:s25], [sflag:$0x3], $0x20, s0, s7, $0xb8;
	[tilespmem:$0x17800] =	vst v63  }
0xea: {  	_ = 	snop  }
0xeb: {  	[spmem:s2] =	stream.indirect.scatter.add.f32 [tilespmem:s26], [sflag:$0x3], $0x20, s1, s7, $0xb8;
	[tilespmem:$0x17800] =	vst v63  }
0xec: {  	_ =	swait.ge [sflag:s9], $0x8000  }
0xed: {  	[sflag:s9] =	ssyncset.done $0x0  }
0xee: {  	s1 =	rddreg [dreg:$0xc];
	[sflag:s9] =	ssyncadd.s32 $0xFFFF8000  }
0xef: {  	[tilespmem:s8], [sflag:$0x2] =	stream.linear.gather [hbm4b:s1+s3], $0x8000, $0x38;
	[tilespmem:$0x17800] =	vst v63  }
0xf0: {  	_ =	swait.ge [sflag:s11], $0x8000  }
0xf1: {  	s0 =	sld [smem:$0x7E1]  }
0xf2: {  	[sflag:s11] =	ssyncset.done $0x0  }
0xf3: {  	s1 =	sld [smem:$0x7E2];
	[sflag:s11] =	ssyncadd.s32 $0xFFFF8000  }
0xf4: {  	[spmem:s2] =	stream.indirect.scatter.add.f32 [tilespmem:s10], [sflag:$0x3], $0x20, s0, s7, $0xb8;
	[tilespmem:$0x17800] =	vst v63  }
0xf5: {  	s0 =	sld [smem:$0x7E3]  }
0xf6: {  	[spmem:s2] =	stream.indirect.scatter.add.f32 [tilespmem:s12], [sflag:$0x3], $0x20, s1, s7, $0xb8;
	[tilespmem:$0x17800] =	vst v63  }
0xf7: {  	s1 =	sld [smem:$0x7E4]  }
0xf8: {  	[spmem:s2] =	stream.indirect.scatter.add.f32 [tilespmem:s13], [sflag:$0x3], $0x20, s0, s7, $0xb8;
	[tilespmem:$0x17800] =	vst v63  }
0xf9: {  	s0 =	sld [smem:$0x7E5]  }
0xfa: {  	[spmem:s2] =	stream.indirect.scatter.add.f32 [tilespmem:s14], [sflag:$0x3], $0x20, s1, s7, $0xb8;
	[tilespmem:$0x17800] =	vst v63  }
0xfb: {  	s1 =	sld [smem:$0x7E6]  }
0xfc: {  	[spmem:s2] =	stream.indirect.scatter.add.f32 [tilespmem:s15], [sflag:$0x3], $0x20, s0, s7, $0xb8;
	[tilespmem:$0x17800] =	vst v63  }
0xfd: {  	s0 =	sld [smem:$0x7E7]  }
0xfe: {  	[spmem:s2] =	stream.indirect.scatter.add.f32 [tilespmem:s16], [sflag:$0x3], $0x20, s1, s7, $0xb8;
	[tilespmem:$0x17800] =	vst v63  }
0xff: {  	s1 =	sld [smem:$0x7E8]  }
0x100: {  	[spmem:s2] =	stream.indirect.scatter.add.f32 [tilespmem:s17], [sflag:$0x3], $0x20, s0, s7, $0xb8;
	[tilespmem:$0x17800] =	vst v63  }
0x101: {  	_ = 	snop  }
0x102: {  	[spmem:s2] =	stream.indirect.scatter.add.f32 [tilespmem:s21], [sflag:$0x3], $0x20, s1, s7, $0xb8;
	[tilespmem:$0x17800] =	vst v63  }
0x103: {  	_ =	swait.ge [sflag:s9], $0x8000  }
0x104: {  	[sflag:s9] =	ssyncset.done $0x0  }
0x105: {  	s1 =	rddreg [dreg:$0xd];
	[sflag:s9] =	ssyncadd.s32 $0xFFFF8000  }
0x106: {  	[tilespmem:s10], [sflag:$0x1] =	stream.linear.gather [hbm4b:s1+s3], $0x8000, $0x38;
	[tilespmem:$0x17800] =	vst v63  }
0x107: {  	_ =	swait.ge [sflag:s19], $0x8000  }
0x108: {  	s0 =	sld [smem:$0x7E9]  }
0x109: {  	[sflag:s19] =	ssyncset.done $0x0  }
0x10a: {  	s1 =	sld [smem:$0x7EA];
	[sflag:s19] =	ssyncadd.s32 $0xFFFF8000  }
0x10b: {  	[spmem:s2] =	stream.indirect.scatter.add.f32 [tilespmem:s8], [sflag:$0x3], $0x20, s0, s7, $0xb8;
	[tilespmem:$0x17800] =	vst v63  }
0x10c: {  	s0 =	sld [smem:$0x7EB]  }
0x10d: {  	[spmem:s2] =	stream.indirect.scatter.add.f32 [tilespmem:s18], [sflag:$0x3], $0x20, s1, s7, $0xb8;
	[tilespmem:$0x17800] =	vst v63  }
0x10e: {  	s1 =	sld [smem:$0x7EC]  }
0x10f: {  	[spmem:s2] =	stream.indirect.scatter.add.f32 [tilespmem:s20], [sflag:$0x3], $0x20, s0, s7, $0xb8;
	[tilespmem:$0x17800] =	vst v63  }
0x110: {  	s0 =	sld [smem:$0x7ED]  }
0x111: {  	[spmem:s2] =	stream.indirect.scatter.add.f32 [tilespmem:s22], [sflag:$0x3], $0x20, s1, s7, $0xb8;
	[tilespmem:$0x17800] =	vst v63  }
0x112: {  	s1 =	sld [smem:$0x7EE]  }
0x113: {  	[spmem:s2] =	stream.indirect.scatter.add.f32 [tilespmem:s23], [sflag:$0x3], $0x20, s0, s7, $0xb8;
	[tilespmem:$0x17800] =	vst v63  }
0x114: {  	s0 =	sld [smem:$0x7EF]  }
0x115: {  	[spmem:s2] =	stream.indirect.scatter.add.f32 [tilespmem:s24], [sflag:$0x3], $0x20, s1, s7, $0xb8;
	[tilespmem:$0x17800] =	vst v63  }
0x116: {  	s1 =	sld [smem:$0x7F0]  }
0x117: {  	[spmem:s2] =	stream.indirect.scatter.add.f32 [tilespmem:s25], [sflag:$0x3], $0x20, s0, s7, $0xb8;
	[tilespmem:$0x17800] =	vst v63  }
0x118: {  	_ = 	snop  }
0x119: {  	[spmem:s2] =	stream.indirect.scatter.add.f32 [tilespmem:s26], [sflag:$0x3], $0x20, s1, s7, $0xb8;
	[tilespmem:$0x17800] =	vst v63  }
0x11a: {  	_ =	swait.ge [sflag:s9], $0x8000  }
0x11b: {  	[sflag:s9] =	ssyncset.done $0x0  }
0x11c: {  	s1 =	rddreg [dreg:$0xe];
	[sflag:s9] =	ssyncadd.s32 $0xFFFF8000  }
0x11d: {  	[tilespmem:s8], [sflag:$0x2] =	stream.linear.gather [hbm4b:s1+s3], $0x8000, $0x38;
	[tilespmem:$0x17800] =	vst v63  }
0x11e: {  	_ =	swait.ge [sflag:s11], $0x8000  }
0x11f: {  	s0 =	sld [smem:$0x7F1]  }
0x120: {  	[sflag:s11] =	ssyncset.done $0x0  }
0x121: {  	s1 =	sld [smem:$0x7F2];
	[sflag:s11] =	ssyncadd.s32 $0xFFFF8000  }
0x122: {  	[spmem:s2] =	stream.indirect.scatter.add.f32 [tilespmem:s10], [sflag:$0x3], $0x20, s0, s7, $0xb8;
	[tilespmem:$0x17800] =	vst v63  }
0x123: {  	s0 =	sld [smem:$0x7F3]  }
0x124: {  	[spmem:s2] =	stream.indirect.scatter.add.f32 [tilespmem:s12], [sflag:$0x3], $0x20, s1, s7, $0xb8;
	[tilespmem:$0x17800] =	vst v63  }
0x125: {  	s1 =	sld [smem:$0x7F4]  }
0x126: {  	[spmem:s2] =	stream.indirect.scatter.add.f32 [tilespmem:s13], [sflag:$0x3], $0x20, s0, s7, $0xb8;
	[tilespmem:$0x17800] =	vst v63  }
0x127: {  	s0 =	sld [smem:$0x7F5]  }
0x128: {  	[spmem:s2] =	stream.indirect.scatter.add.f32 [tilespmem:s14], [sflag:$0x3], $0x20, s1, s7, $0xb8;
	[tilespmem:$0x17800] =	vst v63  }
0x129: {  	s1 =	sld [smem:$0x7F6]  }
0x12a: {  	[spmem:s2] =	stream.indirect.scatter.add.f32 [tilespmem:s15], [sflag:$0x3], $0x20, s0, s7, $0xb8;
	[tilespmem:$0x17800] =	vst v63  }
0x12b: {  	s0 =	sld [smem:$0x7F7]  }
0x12c: {  	[spmem:s2] =	stream.indirect.scatter.add.f32 [tilespmem:s16], [sflag:$0x3], $0x20, s1, s7, $0xb8;
	[tilespmem:$0x17800] =	vst v63  }
0x12d: {  	s1 =	sld [smem:$0x7F8]  }
0x12e: {  	[spmem:s2] =	stream.indirect.scatter.add.f32 [tilespmem:s17], [sflag:$0x3], $0x20, s0, s7, $0xb8;
	[tilespmem:$0x17800] =	vst v63  }
0x12f: {  	_ = 	snop  }
0x130: {  	[spmem:s2] =	stream.indirect.scatter.add.f32 [tilespmem:s21], [sflag:$0x3], $0x20, s1, s7, $0xb8;
	[tilespmem:$0x17800] =	vst v63  }
0x131: {  	_ =	swait.ge [sflag:s9], $0x8000  }
0x132: {  	[sflag:s9] =	ssyncset.done $0x0  }
0x133: {  	[sflag:s9] =	ssyncadd.s32 $0xFFFF8000  }
0x134: {  	_ =	swait.ge [sflag:s19], $0x8000  }
0x135: {  	s0 =	sld [smem:$0x7F9]  }
0x136: {  	[sflag:s19] =	ssyncset.done $0x0  }
0x137: {  	s1 =	sld [smem:$0x7FA];
	[sflag:s19] =	ssyncadd.s32 $0xFFFF8000  }
0x138: {  	[spmem:s2] =	stream.indirect.scatter.add.f32 [tilespmem:s8], [sflag:$0x3], $0x20, s0, s7, $0xb8;
	[tilespmem:$0x17800] =	vst v63  }
0x139: {  	s0 =	sld [smem:$0x7FB]  }
0x13a: {  	[spmem:s2] =	stream.indirect.scatter.add.f32 [tilespmem:s18], [sflag:$0x3], $0x20, s1, s7, $0xb8;
	[tilespmem:$0x17800] =	vst v63  }
0x13b: {  	s1 =	sld [smem:$0x7FC]  }
0x13c: {  	[spmem:s2] =	stream.indirect.scatter.add.f32 [tilespmem:s20], [sflag:$0x3], $0x20, s0, s7, $0xb8;
	[tilespmem:$0x17800] =	vst v63  }
0x13d: {  	s0 =	sld [smem:$0x7FD]  }
0x13e: {  	[spmem:s2] =	stream.indirect.scatter.add.f32 [tilespmem:s22], [sflag:$0x3], $0x20, s1, s7, $0xb8;
	[tilespmem:$0x17800] =	vst v63  }
0x13f: {  	_ = 	snop  }
0x140: {  	[spmem:s2] =	stream.indirect.scatter.add.f32 [tilespmem:s23], [sflag:$0x3], $0x20, s0, s7, $0xb8;
	[tilespmem:$0x17800] =	vst v63  }
0x141: {  	s1 =	simm.s32 $0x2680  }
0x142: {  	[spmem:s2] =	stream.indirect.scatter.add.f32 [tilespmem:s24], [sflag:$0x3], $0x20, s1, s7, $0xb8;
	[tilespmem:$0x17800] =	vst v63  }
0x143: {  	_ = 	snop  }
0x144: {  	[spmem:s2] =	stream.indirect.scatter.add.f32 [tilespmem:s25], [sflag:$0x3], $0x20, s30, s7, $0xb8;
	[tilespmem:$0x17800] =	vst v63  }
0x145: {  	_ = 	snop  }
0x146: {  	[spmem:s2] =	stream.indirect.scatter.add.f32 [tilespmem:s26], [sflag:$0x3], $0x20, s29, s7, $0xb8;
	[tilespmem:$0x17800] =	vst v63  }
0x147: {  	_ =	swait.ge [sflag:s9], $0x8000  }
0x148: {  	[sflag:s9] =	ssyncset.done $0x0  }
0x149: {  	p1 =	sne.s32 s28, $0x1;
	[sflag:s9] =	ssyncadd.s32 $0xFFFF8000  }
.Ltmp1:
0x14a: {  	[bflag:$0x0] =	sbarrier.arrive $0xFFFF;
	(pc) =	sbr.rel @!p1 .LBB2_3-.Ltmp1, $4  }
0x14b: {  	s1 =	rddreg [dreg:$0x6]  }
0x14c: {  	[hbm:s1], [sflag:s4] =	dma.local [spmem:s5], $0xA00  }
0x14d: {  	p0 =	por $0x1, $0x1;
	_ =	swait.ge [sflag:s6], $0xA00  }
0x14e: {  	s1 =	sadd.s32 $0xFFFFFFFF, s28;
	s0 =	rddreg [dreg:$0x3];
	[sflag:s6] =	ssyncset.done $0x0  }
.LBB2_4:
0x14f: {  	[sflag:s6] =	ssyncadd.s32 $0xFFFFF600  }
0x150: {  	[spmem:s5], [sflag:s4] =	dma.local [hbm:s0], $0xA00  }
0x151: {  	_ =	swait.ge [sflag:s6], $0xA00  }
0x152: {  	[sflag:s6] =	ssyncset.done $0x0  }
0x153: {  	s28 =	rddreg [dreg:$0x4];
	[sflag:s6] =	ssyncadd.s32 $0xFFFFF600  }
0x154: {  	[tilespmem:s3], [sflag:$0x4] =	stream.linear.gather [hbm4b:s28+s3], $0x2800, $0x38;
	[tilespmem:$0x17800] =	vst v63  }
0x155: {  	_ =	swait.ge [sflag:s6], $0x2800  }
0x156: {  	[sflag:s6] =	ssyncset.done $0x0  }
0x157: {  	[sflag:s6] =	ssyncadd.s32 $0xFFFFD800  }
0x158: {  	[bflag:$0x0] =	sbarrier.arrive $0xFFFF  }
0x159: {  	[tilespmem:s10], [sflag:$0x1] =	stream.linear.gather [hbm4b:s31+s3], $0x8000, $0x38;
	[tilespmem:$0x17800] =	vst v63  }
0x15a: {  	s28 =	rddreg [dreg:$0x5]  }
0x15b: {  	[tilespmem:s8], [sflag:$0x2] =	stream.linear.gather [hbm4b:s28+s3], $0x8000, $0x38;
	[tilespmem:$0x17800] =	vst v63  }
0x15c: {  	_ =	swait.ge [sflag:s11], $0x8000  }
0x15d: {  	[sflag:s11] =	ssyncset.done $0x0  }
0x15e: {  	[sflag:s11] =	ssyncadd.s32 $0xFFFF8000  }
0x15f: {  	[spmem:s2] =	stream.indirect.scatter.add.f32 [tilespmem:s10], [sflag:$0x3], $0x20, s3, s7, $0xb8;
	[tilespmem:$0x17800] =	vst v63  }
0x160: {  	_ = 	snop  }
0x161: {  	[spmem:s2] =	stream.indirect.scatter.add.f32 [tilespmem:s12], [sflag:$0x3], $0x20, s7, s7, $0xb8;
	[tilespmem:$0x17800] =	vst v63  }
0x162: {  	s0 =	rddreg [dreg:$0xf]  }
0x163: {  	[spmem:s2] =	stream.indirect.scatter.add.f32 [tilespmem:s13], [sflag:$0x3], $0x20, s0, s7, $0xb8;
	[tilespmem:$0x17800] =	vst v63  }
0x164: {  	s28 =	rddreg [dreg:$0x10]  }
0x165: {  	[spmem:s2] =	stream.indirect.scatter.add.f32 [tilespmem:s14], [sflag:$0x3], $0x20, s28, s7, $0xb8;
	[tilespmem:$0x17800] =	vst v63  }
0x166: {  	s0 =	rddreg [dreg:$0x11]  }
0x167: {  	[spmem:s2] =	stream.indirect.scatter.add.f32 [tilespmem:s15], [sflag:$0x3], $0x20, s0, s7, $0xb8;
	[tilespmem:$0x17800] =	vst v63  }
0x168: {  	s28 =	rddreg [dreg:$0x12]  }
0x169: {  	[spmem:s2] =	stream.indirect.scatter.add.f32 [tilespmem:s16], [sflag:$0x3], $0x20, s28, s7, $0xb8;
	[tilespmem:$0x17800] =	vst v63  }
0x16a: {  	s0 =	rddreg [dreg:$0x13]  }
0x16b: {  	[spmem:s2] =	stream.indirect.scatter.add.f32 [tilespmem:s17], [sflag:$0x3], $0x20, s0, s7, $0xb8;
	[tilespmem:$0x17800] =	vst v63  }
0x16c: {  	s28 =	rddreg [dreg:$0x14]  }
0x16d: {  	[spmem:s2] =	stream.indirect.scatter.add.f32 [tilespmem:s21], [sflag:$0x3], $0x20, s28, s7, $0xb8;
	[tilespmem:$0x17800] =	vst v63  }
0x16e: {  	_ =	swait.ge [sflag:s9], $0x8000  }
0x16f: {  	[sflag:s9] =	ssyncset.done $0x0  }
0x170: {  	s28 =	rddreg [dreg:$0x7];
	[sflag:s9] =	ssyncadd.s32 $0xFFFF8000  }
0x171: {  	[tilespmem:s10], [sflag:$0x1] =	stream.linear.gather [hbm4b:s28+s3], $0x8000, $0x38;
	[tilespmem:$0x17800] =	vst v63  }
0x172: {  	_ =	swait.ge [sflag:s19], $0x8000  }
0x173: {  	[sflag:s19] =	ssyncset.done $0x0  }
0x174: {  	s0 =	rddreg [dreg:$0x15];
	[sflag:s19] =	ssyncadd.s32 $0xFFFF8000  }
0x175: {  	[spmem:s2] =	stream.indirect.scatter.add.f32 [tilespmem:s8], [sflag:$0x3], $0x20, s0, s7, $0xb8;
	[tilespmem:$0x17800] =	vst v63  }
0x176: {  	s28 =	rddreg [dreg:$0x16]  }
0x177: {  	[spmem:s2] =	stream.indirect.scatter.add.f32 [tilespmem:s18], [sflag:$0x3], $0x20, s28, s7, $0xb8;
	[tilespmem:$0x17800] =	vst v63  }
0x178: {  	s0 =	rddreg [dreg:$0x17]  }
0x179: {  	[spmem:s2] =	stream.indirect.scatter.add.f32 [tilespmem:s20], [sflag:$0x3], $0x20, s0, s7, $0xb8;
	[tilespmem:$0x17800] =	vst v63  }
0x17a: {  	s28 =	rddreg [dreg:$0x18]  }
0x17b: {  	[spmem:s2] =	stream.indirect.scatter.add.f32 [tilespmem:s22], [sflag:$0x3], $0x20, s28, s7, $0xb8;
	[tilespmem:$0x17800] =	vst v63  }
0x17c: {  	s0 =	rddreg [dreg:$0x19]  }
0x17d: {  	[spmem:s2] =	stream.indirect.scatter.add.f32 [tilespmem:s23], [sflag:$0x3], $0x20, s0, s7, $0xb8;
	[tilespmem:$0x17800] =	vst v63  }
0x17e: {  	s28 =	rddreg [dreg:$0x1a]  }
0x17f: {  	[spmem:s2] =	stream.indirect.scatter.add.f32 [tilespmem:s24], [sflag:$0x3], $0x20, s28, s7, $0xb8;
	[tilespmem:$0x17800] =	vst v63  }
0x180: {  	s0 =	rddreg [dreg:$0x1b]  }
0x181: {  	[spmem:s2] =	stream.indirect.scatter.add.f32 [tilespmem:s25], [sflag:$0x3], $0x20, s0, s7, $0xb8;
	[tilespmem:$0x17800] =	vst v63  }
0x182: {  	s28 =	rddreg [dreg:$0x1c]  }
0x183: {  	[spmem:s2] =	stream.indirect.scatter.add.f32 [tilespmem:s26], [sflag:$0x3], $0x20, s28, s7, $0xb8;
	[tilespmem:$0x17800] =	vst v63  }
0x184: {  	_ =	swait.ge [sflag:s9], $0x8000  }
0x185: {  	[sflag:s9] =	ssyncset.done $0x0  }
0x186: {  	s28 =	rddreg [dreg:$0x8];
	[sflag:s9] =	ssyncadd.s32 $0xFFFF8000  }
0x187: {  	[tilespmem:s8], [sflag:$0x2] =	stream.linear.gather [hbm4b:s28+s3], $0x8000, $0x38;
	[tilespmem:$0x17800] =	vst v63  }
0x188: {  	_ =	swait.ge [sflag:s11], $0x8000  }
0x189: {  	s0 =	rddreg [dreg:$0x1d];
	[sflag:s11] =	ssyncset.done $0x0  }
0x18a: {  	s28 =	rddreg [dreg:$0x1e];
	[sflag:s11] =	ssyncadd.s32 $0xFFFF8000  }
0x18b: {  	[spmem:s2] =	stream.indirect.scatter.add.f32 [tilespmem:s10], [sflag:$0x3], $0x20, s0, s7, $0xb8;
	[tilespmem:$0x17800] =	vst v63  }
0x18c: {  	s0 =	rddreg [dreg:$0x1f]  }
0x18d: {  	[spmem:s2] =	stream.indirect.scatter.add.f32 [tilespmem:s12], [sflag:$0x3], $0x20, s28, s7, $0xb8;
	[tilespmem:$0x17800] =	vst v63  }
0x18e: {  	s28 =	sld [smem:$0x7C4]  }
0x18f: {  	[spmem:s2] =	stream.indirect.scatter.add.f32 [tilespmem:s13], [sflag:$0x3], $0x20, s0, s7, $0xb8;
	[tilespmem:$0x17800] =	vst v63  }
0x190: {  	s0 =	sld [smem:$0x7C5]  }
0x191: {  	[spmem:s2] =	stream.indirect.scatter.add.f32 [tilespmem:s14], [sflag:$0x3], $0x20, s28, s7, $0xb8;
	[tilespmem:$0x17800] =	vst v63  }
0x192: {  	s28 =	sld [smem:$0x7C6]  }
0x193: {  	[spmem:s2] =	stream.indirect.scatter.add.f32 [tilespmem:s15], [sflag:$0x3], $0x20, s0, s7, $0xb8;
	[tilespmem:$0x17800] =	vst v63  }
0x194: {  	s0 =	sld [smem:$0x7C7]  }
0x195: {  	[spmem:s2] =	stream.indirect.scatter.add.f32 [tilespmem:s16], [sflag:$0x3], $0x20, s28, s7, $0xb8;
	[tilespmem:$0x17800] =	vst v63  }
0x196: {  	s28 =	sld [smem:$0x7C8]  }
0x197: {  	[spmem:s2] =	stream.indirect.scatter.add.f32 [tilespmem:s17], [sflag:$0x3], $0x20, s0, s7, $0xb8;
	[tilespmem:$0x17800] =	vst v63  }
0x198: {  	_ = 	snop  }
0x199: {  	[spmem:s2] =	stream.indirect.scatter.add.f32 [tilespmem:s21], [sflag:$0x3], $0x20, s28, s7, $0xb8;
	[tilespmem:$0x17800] =	vst v63  }
0x19a: {  	_ =	swait.ge [sflag:s9], $0x8000  }
0x19b: {  	[sflag:s9] =	ssyncset.done $0x0  }
0x19c: {  	s28 =	rddreg [dreg:$0x9];
	[sflag:s9] =	ssyncadd.s32 $0xFFFF8000  }
0x19d: {  	[tilespmem:s10], [sflag:$0x1] =	stream.linear.gather [hbm4b:s28+s3], $0x8000, $0x38;
	[tilespmem:$0x17800] =	vst v63  }
0x19e: {  	_ =	swait.ge [sflag:s19], $0x8000  }
0x19f: {  	s0 =	sld [smem:$0x7C9]  }
0x1a0: {  	[sflag:s19] =	ssyncset.done $0x0  }
0x1a1: {  	s28 =	sld [smem:$0x7CA];
	[sflag:s19] =	ssyncadd.s32 $0xFFFF8000  }
0x1a2: {  	[spmem:s2] =	stream.indirect.scatter.add.f32 [tilespmem:s8], [sflag:$0x3], $0x20, s0, s7, $0xb8;
	[tilespmem:$0x17800] =	vst v63  }
0x1a3: {  	s0 =	sld [smem:$0x7CB]  }
0x1a4: {  	[spmem:s2] =	stream.indirect.scatter.add.f32 [tilespmem:s18], [sflag:$0x3], $0x20, s28, s7, $0xb8;
	[tilespmem:$0x17800] =	vst v63  }
0x1a5: {  	s28 =	sld [smem:$0x7CC]  }
0x1a6: {  	[spmem:s2] =	stream.indirect.scatter.add.f32 [tilespmem:s20], [sflag:$0x3], $0x20, s0, s7, $0xb8;
	[tilespmem:$0x17800] =	vst v63  }
0x1a7: {  	s0 =	sld [smem:$0x7CD]  }
0x1a8: {  	[spmem:s2] =	stream.indirect.scatter.add.f32 [tilespmem:s22], [sflag:$0x3], $0x20, s28, s7, $0xb8;
	[tilespmem:$0x17800] =	vst v63  }
0x1a9: {  	s28 =	sld [smem:$0x7CE]  }
0x1aa: {  	[spmem:s2] =	stream.indirect.scatter.add.f32 [tilespmem:s23], [sflag:$0x3], $0x20, s0, s7, $0xb8;
	[tilespmem:$0x17800] =	vst v63  }
0x1ab: {  	s0 =	sld [smem:$0x7CF]  }
0x1ac: {  	[spmem:s2] =	stream.indirect.scatter.add.f32 [tilespmem:s24], [sflag:$0x3], $0x20, s28, s7, $0xb8;
	[tilespmem:$0x17800] =	vst v63  }
0x1ad: {  	s28 =	sld [smem:$0x7D0]  }
0x1ae: {  	[spmem:s2] =	stream.indirect.scatter.add.f32 [tilespmem:s25], [sflag:$0x3], $0x20, s0, s7, $0xb8;
	[tilespmem:$0x17800] =	vst v63  }
0x1af: {  	_ = 	snop  }
0x1b0: {  	[spmem:s2] =	stream.indirect.scatter.add.f32 [tilespmem:s26], [sflag:$0x3], $0x20, s28, s7, $0xb8;
	[tilespmem:$0x17800] =	vst v63  }
0x1b1: {  	_ =	swait.ge [sflag:s9], $0x8000  }
0x1b2: {  	[sflag:s9] =	ssyncset.done $0x0  }
0x1b3: {  	s28 =	rddreg [dreg:$0xa];
	[sflag:s9] =	ssyncadd.s32 $0xFFFF8000  }
0x1b4: {  	[tilespmem:s8], [sflag:$0x2] =	stream.linear.gather [hbm4b:s28+s3], $0x8000, $0x38;
	[tilespmem:$0x17800] =	vst v63  }
0x1b5: {  	_ =	swait.ge [sflag:s11], $0x8000  }
0x1b6: {  	s0 =	sld [smem:$0x7D1]  }
0x1b7: {  	[sflag:s11] =	ssyncset.done $0x0  }
0x1b8: {  	s28 =	sld [smem:$0x7D2];
	[sflag:s11] =	ssyncadd.s32 $0xFFFF8000  }
0x1b9: {  	[spmem:s2] =	stream.indirect.scatter.add.f32 [tilespmem:s10], [sflag:$0x3], $0x20, s0, s7, $0xb8;
	[tilespmem:$0x17800] =	vst v63  }
0x1ba: {  	s0 =	sld [smem:$0x7D3]  }
0x1bb: {  	[spmem:s2] =	stream.indirect.scatter.add.f32 [tilespmem:s12], [sflag:$0x3], $0x20, s28, s7, $0xb8;
	[tilespmem:$0x17800] =	vst v63  }
0x1bc: {  	s28 =	sld [smem:$0x7D4]  }
0x1bd: {  	[spmem:s2] =	stream.indirect.scatter.add.f32 [tilespmem:s13], [sflag:$0x3], $0x20, s0, s7, $0xb8;
	[tilespmem:$0x17800] =	vst v63  }
0x1be: {  	s0 =	sld [smem:$0x7D5]  }
0x1bf: {  	[spmem:s2] =	stream.indirect.scatter.add.f32 [tilespmem:s14], [sflag:$0x3], $0x20, s28, s7, $0xb8;
	[tilespmem:$0x17800] =	vst v63  }
0x1c0: {  	s28 =	sld [smem:$0x7D6]  }
0x1c1: {  	[spmem:s2] =	stream.indirect.scatter.add.f32 [tilespmem:s15], [sflag:$0x3], $0x20, s0, s7, $0xb8;
	[tilespmem:$0x17800] =	vst v63  }
0x1c2: {  	s0 =	sld [smem:$0x7D7]  }
0x1c3: {  	[spmem:s2] =	stream.indirect.scatter.add.f32 [tilespmem:s16], [sflag:$0x3], $0x20, s28, s7, $0xb8;
	[tilespmem:$0x17800] =	vst v63  }
0x1c4: {  	s28 =	sld [smem:$0x7D8]  }
0x1c5: {  	[spmem:s2] =	stream.indirect.scatter.add.f32 [tilespmem:s17], [sflag:$0x3], $0x20, s0, s7, $0xb8;
	[tilespmem:$0x17800] =	vst v63  }
0x1c6: {  	_ = 	snop  }
0x1c7: {  	[spmem:s2] =	stream.indirect.scatter.add.f32 [tilespmem:s21], [sflag:$0x3], $0x20, s28, s7, $0xb8;
	[tilespmem:$0x17800] =	vst v63  }
0x1c8: {  	_ =	swait.ge [sflag:s9], $0x8000  }
0x1c9: {  	[sflag:s9] =	ssyncset.done $0x0  }
0x1ca: {  	s28 =	rddreg [dreg:$0xb];
	[sflag:s9] =	ssyncadd.s32 $0xFFFF8000  }
0x1cb: {  	[tilespmem:s10], [sflag:$0x1] =	stream.linear.gather [hbm4b:s28+s3], $0x8000, $0x38;
	[tilespmem:$0x17800] =	vst v63  }
0x1cc: {  	_ =	swait.ge [sflag:s19], $0x8000  }
0x1cd: {  	s0 =	sld [smem:$0x7D9]  }
0x1ce: {  	[sflag:s19] =	ssyncset.done $0x0  }
0x1cf: {  	s28 =	sld [smem:$0x7DA];
	[sflag:s19] =	ssyncadd.s32 $0xFFFF8000  }
0x1d0: {  	[spmem:s2] =	stream.indirect.scatter.add.f32 [tilespmem:s8], [sflag:$0x3], $0x20, s0, s7, $0xb8;
	[tilespmem:$0x17800] =	vst v63  }
0x1d1: {  	s0 =	sld [smem:$0x7DB]  }
0x1d2: {  	[spmem:s2] =	stream.indirect.scatter.add.f32 [tilespmem:s18], [sflag:$0x3], $0x20, s28, s7, $0xb8;
	[tilespmem:$0x17800] =	vst v63  }
0x1d3: {  	s28 =	sld [smem:$0x7DC]  }
0x1d4: {  	[spmem:s2] =	stream.indirect.scatter.add.f32 [tilespmem:s20], [sflag:$0x3], $0x20, s0, s7, $0xb8;
	[tilespmem:$0x17800] =	vst v63  }
0x1d5: {  	s0 =	sld [smem:$0x7DD]  }
0x1d6: {  	[spmem:s2] =	stream.indirect.scatter.add.f32 [tilespmem:s22], [sflag:$0x3], $0x20, s28, s7, $0xb8;
	[tilespmem:$0x17800] =	vst v63  }
0x1d7: {  	s28 =	sld [smem:$0x7DE]  }
0x1d8: {  	[spmem:s2] =	stream.indirect.scatter.add.f32 [tilespmem:s23], [sflag:$0x3], $0x20, s0, s7, $0xb8;
	[tilespmem:$0x17800] =	vst v63  }
0x1d9: {  	s0 =	sld [smem:$0x7DF]  }
0x1da: {  	[spmem:s2] =	stream.indirect.scatter.add.f32 [tilespmem:s24], [sflag:$0x3], $0x20, s28, s7, $0xb8;
	[tilespmem:$0x17800] =	vst v63  }
0x1db: {  	s28 =	sld [smem:$0x7E0]  }
0x1dc: {  	[spmem:s2] =	stream.indirect.scatter.add.f32 [tilespmem:s25], [sflag:$0x3], $0x20, s0, s7, $0xb8;
	[tilespmem:$0x17800] =	vst v63  }
0x1dd: {  	_ = 	snop  }
0x1de: {  	[spmem:s2] =	stream.indirect.scatter.add.f32 [tilespmem:s26], [sflag:$0x3], $0x20, s28, s7, $0xb8;
	[tilespmem:$0x17800] =	vst v63  }
0x1df: {  	_ =	swait.ge [sflag:s9], $0x8000  }
0x1e0: {  	[sflag:s9] =	ssyncset.done $0x0  }
0x1e1: {  	s28 =	rddreg [dreg:$0xc];
	[sflag:s9] =	ssyncadd.s32 $0xFFFF8000  }
0x1e2: {  	[tilespmem:s8], [sflag:$0x2] =	stream.linear.gather [hbm4b:s28+s3], $0x8000, $0x38;
	[tilespmem:$0x17800] =	vst v63  }
0x1e3: {  	_ =	swait.ge [sflag:s11], $0x8000  }
0x1e4: {  	s0 =	sld [smem:$0x7E1]  }
0x1e5: {  	[sflag:s11] =	ssyncset.done $0x0  }
0x1e6: {  	s28 =	sld [smem:$0x7E2];
	[sflag:s11] =	ssyncadd.s32 $0xFFFF8000  }
0x1e7: {  	[spmem:s2] =	stream.indirect.scatter.add.f32 [tilespmem:s10], [sflag:$0x3], $0x20, s0, s7, $0xb8;
	[tilespmem:$0x17800] =	vst v63  }
0x1e8: {  	s0 =	sld [smem:$0x7E3]  }
0x1e9: {  	[spmem:s2] =	stream.indirect.scatter.add.f32 [tilespmem:s12], [sflag:$0x3], $0x20, s28, s7, $0xb8;
	[tilespmem:$0x17800] =	vst v63  }
0x1ea: {  	s28 =	sld [smem:$0x7E4]  }
0x1eb: {  	[spmem:s2] =	stream.indirect.scatter.add.f32 [tilespmem:s13], [sflag:$0x3], $0x20, s0, s7, $0xb8;
	[tilespmem:$0x17800] =	vst v63  }
0x1ec: {  	s0 =	sld [smem:$0x7E5]  }
0x1ed: {  	[spmem:s2] =	stream.indirect.scatter.add.f32 [tilespmem:s14], [sflag:$0x3], $0x20, s28, s7, $0xb8;
	[tilespmem:$0x17800] =	vst v63  }
0x1ee: {  	s28 =	sld [smem:$0x7E6]  }
0x1ef: {  	[spmem:s2] =	stream.indirect.scatter.add.f32 [tilespmem:s15], [sflag:$0x3], $0x20, s0, s7, $0xb8;
	[tilespmem:$0x17800] =	vst v63  }
0x1f0: {  	s0 =	sld [smem:$0x7E7]  }
0x1f1: {  	[spmem:s2] =	stream.indirect.scatter.add.f32 [tilespmem:s16], [sflag:$0x3], $0x20, s28, s7, $0xb8;
	[tilespmem:$0x17800] =	vst v63  }
0x1f2: {  	s28 =	sld [smem:$0x7E8]  }
0x1f3: {  	[spmem:s2] =	stream.indirect.scatter.add.f32 [tilespmem:s17], [sflag:$0x3], $0x20, s0, s7, $0xb8;
	[tilespmem:$0x17800] =	vst v63  }
0x1f4: {  	_ = 	snop  }
0x1f5: {  	[spmem:s2] =	stream.indirect.scatter.add.f32 [tilespmem:s21], [sflag:$0x3], $0x20, s28, s7, $0xb8;
	[tilespmem:$0x17800] =	vst v63  }
0x1f6: {  	_ =	swait.ge [sflag:s9], $0x8000  }
0x1f7: {  	[sflag:s9] =	ssyncset.done $0x0  }
0x1f8: {  	s28 =	rddreg [dreg:$0xd];
	[sflag:s9] =	ssyncadd.s32 $0xFFFF8000  }
0x1f9: {  	[tilespmem:s10], [sflag:$0x1] =	stream.linear.gather [hbm4b:s28+s3], $0x8000, $0x38;
	[tilespmem:$0x17800] =	vst v63  }
0x1fa: {  	_ =	swait.ge [sflag:s19], $0x8000  }
0x1fb: {  	s0 =	sld [smem:$0x7E9]  }
0x1fc: {  	[sflag:s19] =	ssyncset.done $0x0  }
0x1fd: {  	s28 =	sld [smem:$0x7EA];
	[sflag:s19] =	ssyncadd.s32 $0xFFFF8000  }
0x1fe: {  	[spmem:s2] =	stream.indirect.scatter.add.f32 [tilespmem:s8], [sflag:$0x3], $0x20, s0, s7, $0xb8;
	[tilespmem:$0x17800] =	vst v63  }
0x1ff: {  	s0 =	sld [smem:$0x7EB]  }
0x200: {  	[spmem:s2] =	stream.indirect.scatter.add.f32 [tilespmem:s18], [sflag:$0x3], $0x20, s28, s7, $0xb8;
	[tilespmem:$0x17800] =	vst v63  }
0x201: {  	s28 =	sld [smem:$0x7EC]  }
0x202: {  	[spmem:s2] =	stream.indirect.scatter.add.f32 [tilespmem:s20], [sflag:$0x3], $0x20, s0, s7, $0xb8;
	[tilespmem:$0x17800] =	vst v63  }
0x203: {  	s0 =	sld [smem:$0x7ED]  }
0x204: {  	[spmem:s2] =	stream.indirect.scatter.add.f32 [tilespmem:s22], [sflag:$0x3], $0x20, s28, s7, $0xb8;
	[tilespmem:$0x17800] =	vst v63  }
0x205: {  	s28 =	sld [smem:$0x7EE]  }
0x206: {  	[spmem:s2] =	stream.indirect.scatter.add.f32 [tilespmem:s23], [sflag:$0x3], $0x20, s0, s7, $0xb8;
	[tilespmem:$0x17800] =	vst v63  }
0x207: {  	s0 =	sld [smem:$0x7EF]  }
0x208: {  	[spmem:s2] =	stream.indirect.scatter.add.f32 [tilespmem:s24], [sflag:$0x3], $0x20, s28, s7, $0xb8;
	[tilespmem:$0x17800] =	vst v63  }
0x209: {  	s28 =	sld [smem:$0x7F0]  }
0x20a: {  	[spmem:s2] =	stream.indirect.scatter.add.f32 [tilespmem:s25], [sflag:$0x3], $0x20, s0, s7, $0xb8;
	[tilespmem:$0x17800] =	vst v63  }
0x20b: {  	_ = 	snop  }
0x20c: {  	[spmem:s2] =	stream.indirect.scatter.add.f32 [tilespmem:s26], [sflag:$0x3], $0x20, s28, s7, $0xb8;
	[tilespmem:$0x17800] =	vst v63  }
0x20d: {  	_ =	swait.ge [sflag:s9], $0x8000  }
0x20e: {  	[sflag:s9] =	ssyncset.done $0x0  }
0x20f: {  	s28 =	rddreg [dreg:$0xe];
	[sflag:s9] =	ssyncadd.s32 $0xFFFF8000  }
0x210: {  	[tilespmem:s8], [sflag:$0x2] =	stream.linear.gather [hbm4b:s28+s3], $0x8000, $0x38;
	[tilespmem:$0x17800] =	vst v63  }
0x211: {  	_ =	swait.ge [sflag:s11], $0x8000  }
0x212: {  	s0 =	sld [smem:$0x7F1]  }
0x213: {  	[sflag:s11] =	ssyncset.done $0x0  }
0x214: {  	s28 =	sld [smem:$0x7F2];
	[sflag:s11] =	ssyncadd.s32 $0xFFFF8000  }
0x215: {  	[spmem:s2] =	stream.indirect.scatter.add.f32 [tilespmem:s10], [sflag:$0x3], $0x20, s0, s7, $0xb8;
	[tilespmem:$0x17800] =	vst v63  }
0x216: {  	s0 =	sld [smem:$0x7F3]  }
0x217: {  	[spmem:s2] =	stream.indirect.scatter.add.f32 [tilespmem:s12], [sflag:$0x3], $0x20, s28, s7, $0xb8;
	[tilespmem:$0x17800] =	vst v63  }
0x218: {  	s28 =	sld [smem:$0x7F4]  }
0x219: {  	[spmem:s2] =	stream.indirect.scatter.add.f32 [tilespmem:s13], [sflag:$0x3], $0x20, s0, s7, $0xb8;
	[tilespmem:$0x17800] =	vst v63  }
0x21a: {  	s0 =	sld [smem:$0x7F5]  }
0x21b: {  	[spmem:s2] =	stream.indirect.scatter.add.f32 [tilespmem:s14], [sflag:$0x3], $0x20, s28, s7, $0xb8;
	[tilespmem:$0x17800] =	vst v63  }
0x21c: {  	s28 =	sld [smem:$0x7F6]  }
0x21d: {  	[spmem:s2] =	stream.indirect.scatter.add.f32 [tilespmem:s15], [sflag:$0x3], $0x20, s0, s7, $0xb8;
	[tilespmem:$0x17800] =	vst v63  }
0x21e: {  	s0 =	sld [smem:$0x7F7]  }
0x21f: {  	[spmem:s2] =	stream.indirect.scatter.add.f32 [tilespmem:s16], [sflag:$0x3], $0x20, s28, s7, $0xb8;
	[tilespmem:$0x17800] =	vst v63  }
0x220: {  	s28 =	sld [smem:$0x7F8]  }
0x221: {  	[spmem:s2] =	stream.indirect.scatter.add.f32 [tilespmem:s17], [sflag:$0x3], $0x20, s0, s7, $0xb8;
	[tilespmem:$0x17800] =	vst v63  }
0x222: {  	_ = 	snop  }
0x223: {  	[spmem:s2] =	stream.indirect.scatter.add.f32 [tilespmem:s21], [sflag:$0x3], $0x20, s28, s7, $0xb8;
	[tilespmem:$0x17800] =	vst v63  }
0x224: {  	_ =	swait.ge [sflag:s9], $0x8000  }
0x225: {  	[sflag:s9] =	ssyncset.done $0x0  }
0x226: {  	[sflag:s9] =	ssyncadd.s32 $0xFFFF8000  }
0x227: {  	_ =	swait.ge [sflag:s19], $0x8000  }
0x228: {  	s0 =	sld [smem:$0x7F9]  }
0x229: {  	[sflag:s19] =	ssyncset.done $0x0  }
0x22a: {  	s28 =	sld [smem:$0x7FA];
	[sflag:s19] =	ssyncadd.s32 $0xFFFF8000  }
0x22b: {  	[spmem:s2] =	stream.indirect.scatter.add.f32 [tilespmem:s8], [sflag:$0x3], $0x20, s0, s7, $0xb8;
	[tilespmem:$0x17800] =	vst v63  }
0x22c: {  	s0 =	sld [smem:$0x7FB]  }
0x22d: {  	[spmem:s2] =	stream.indirect.scatter.add.f32 [tilespmem:s18], [sflag:$0x3], $0x20, s28, s7, $0xb8;
	[tilespmem:$0x17800] =	vst v63  }
0x22e: {  	s28 =	sld [smem:$0x7FC]  }
0x22f: {  	[spmem:s2] =	stream.indirect.scatter.add.f32 [tilespmem:s20], [sflag:$0x3], $0x20, s0, s7, $0xb8;
	[tilespmem:$0x17800] =	vst v63  }
0x230: {  	s0 =	sld [smem:$0x7FD]  }
0x231: {  	[spmem:s2] =	stream.indirect.scatter.add.f32 [tilespmem:s22], [sflag:$0x3], $0x20, s28, s7, $0xb8;
	[tilespmem:$0x17800] =	vst v63  }
0x232: {  	_ = 	snop  }
0x233: {  	[spmem:s2] =	stream.indirect.scatter.add.f32 [tilespmem:s23], [sflag:$0x3], $0x20, s0, s7, $0xb8;
	[tilespmem:$0x17800] =	vst v63  }
0x234: {  	s28 =	simm.s32 $0x2680  }
0x235: {  	[spmem:s2] =	stream.indirect.scatter.add.f32 [tilespmem:s24], [sflag:$0x3], $0x20, s28, s7, $0xb8;
	[tilespmem:$0x17800] =	vst v63  }
0x236: {  	_ = 	snop  }
0x237: {  	[spmem:s2] =	stream.indirect.scatter.add.f32 [tilespmem:s25], [sflag:$0x3], $0x20, s30, s7, $0xb8;
	[tilespmem:$0x17800] =	vst v63  }
0x238: {  	_ = 	snop  }
0x239: {  	[spmem:s2] =	stream.indirect.scatter.add.f32 [tilespmem:s26], [sflag:$0x3], $0x20, s29, s7, $0xb8;
	[tilespmem:$0x17800] =	vst v63  }
0x23a: {  	_ =	swait.ge [sflag:s9], $0x8000  }
0x23b: {  	[sflag:s9] =	ssyncset.done $0x0  }
0x23c: {  	p1 =	sne.s32 s1, $0x1;
	[sflag:s9] =	ssyncadd.s32 $0xFFFF8000  }
.Ltmp2:
0x23d: {  	[bflag:$0x0] =	sbarrier.arrive $0xFFFF;
	(pc) =	sbr.rel @p1 .LBB2_4-.Ltmp2, $4  }
0x23e: {  	s28 =	rddreg [dreg:$0x6]  }
0x23f: {  	[hbm:s28], [sflag:s4] =	dma.local [spmem:s5], $0xA00  }
0x240: {  	_ =	swait.ge [sflag:s6], $0xA00  }
0x241: {  	s1 =	sadd.s32 $0xFFFFFFFF, s1;
	s0 =	rddreg [dreg:$0x3];
	[sflag:s6] =	ssyncset.done $0x0  }
0x242: {  	s30 =	simm.s32 $0x2700;
	s29 =	simm.s32 $0x2680;
	s28 =	stileid.u32  }
.LBB2_6:
0x243: {  	[sflag:s6] =	ssyncadd.s32 @p0 $0xFFFFF600  }
0x244: {  	[spmem:s5], [sflag:s4] =	dma.local [hbm:s0], $0xA00  }
0x245: {  	_ =	swait.ge [sflag:s6], $0xA00  }
0x246: {  	[sflag:s6] =	ssyncset.done $0x0  }
0x247: {  	s1 =	rddreg [dreg:$0x4];
	[sflag:s6] =	ssyncadd.s32 $0xFFFFF600  }
0x248: {  	[tilespmem:s3], [sflag:$0x4] =	stream.linear.gather [hbm4b:s1+s3], $0x2800, $0x38;
	[tilespmem:$0x17800] =	vst v63  }
0x249: {  	_ =	swait.ge [sflag:s6], $0x2800  }
0x24a: {  	[sflag:s6] =	ssyncset.done $0x0  }
0x24b: {  	[sflag:s6] =	ssyncadd.s32 $0xFFFFD800  }
0x24c: {  	[bflag:$0x0] =	sbarrier.arrive $0xFFFF  }
0x24d: {  	[tilespmem:s10], [sflag:$0x1] =	stream.linear.gather [hbm4b:s31+s3], $0x8000, $0x38;
	[tilespmem:$0x17800] =	vst v63  }
0x24e: {  	s1 =	rddreg [dreg:$0x5]  }
0x24f: {  	[tilespmem:s8], [sflag:$0x2] =	stream.linear.gather [hbm4b:s1+s3], $0x8000, $0x38;
	[tilespmem:$0x17800] =	vst v63  }
0x250: {  	_ =	swait.ge [sflag:s11], $0x8000  }
0x251: {  	[sflag:s11] =	ssyncset.done $0x0  }
0x252: {  	[sflag:s11] =	ssyncadd.s32 $0xFFFF8000  }
0x253: {  	[spmem:s2] =	stream.indirect.scatter.add.f32 [tilespmem:s10], [sflag:$0x3], $0x20, s3, s7, $0xb8;
	[tilespmem:$0x17800] =	vst v63  }
0x254: {  	_ = 	snop  }
0x255: {  	[spmem:s2] =	stream.indirect.scatter.add.f32 [tilespmem:s12], [sflag:$0x3], $0x20, s7, s7, $0xb8;
	[tilespmem:$0x17800] =	vst v63  }
0x256: {  	s31 =	rddreg [dreg:$0xf]  }
0x257: {  	[spmem:s2] =	stream.indirect.scatter.add.f32 [tilespmem:s13], [sflag:$0x3], $0x20, s31, s7, $0xb8;
	[tilespmem:$0x17800] =	vst v63  }
0x258: {  	s1 =	rddreg [dreg:$0x10]  }
0x259: {  	[spmem:s2] =	stream.indirect.scatter.add.f32 [tilespmem:s14], [sflag:$0x3], $0x20, s1, s7, $0xb8;
	[tilespmem:$0x17800] =	vst v63  }
0x25a: {  	s0 =	rddreg [dreg:$0x11]  }
0x25b: {  	[spmem:s2] =	stream.indirect.scatter.add.f32 [tilespmem:s15], [sflag:$0x3], $0x20, s0, s7, $0xb8;
	[tilespmem:$0x17800] =	vst v63  }
0x25c: {  	s31 =	rddreg [dreg:$0x12]  }
0x25d: {  	[spmem:s2] =	stream.indirect.scatter.add.f32 [tilespmem:s16], [sflag:$0x3], $0x20, s31, s7, $0xb8;
	[tilespmem:$0x17800] =	vst v63  }
0x25e: {  	s0 =	rddreg [dreg:$0x13]  }
0x25f: {  	[spmem:s2] =	stream.indirect.scatter.add.f32 [tilespmem:s17], [sflag:$0x3], $0x20, s0, s7, $0xb8;
	[tilespmem:$0x17800] =	vst v63  }
0x260: {  	s31 =	rddreg [dreg:$0x14]  }
0x261: {  	[spmem:s2] =	stream.indirect.scatter.add.f32 [tilespmem:s21], [sflag:$0x3], $0x20, s31, s7, $0xb8;
	[tilespmem:$0x17800] =	vst v63  }
0x262: {  	_ =	swait.ge [sflag:s9], $0x8000  }
0x263: {  	[sflag:s9] =	ssyncset.done $0x0  }
0x264: {  	s31 =	rddreg [dreg:$0x7];
	[sflag:s9] =	ssyncadd.s32 $0xFFFF8000  }
0x265: {  	[tilespmem:s10], [sflag:$0x1] =	stream.linear.gather [hbm4b:s31+s3], $0x8000, $0x38;
	[tilespmem:$0x17800] =	vst v63  }
0x266: {  	_ =	swait.ge [sflag:s19], $0x8000  }
0x267: {  	[sflag:s19] =	ssyncset.done $0x0  }
0x268: {  	s1 =	rddreg [dreg:$0x15];
	[sflag:s19] =	ssyncadd.s32 $0xFFFF8000  }
0x269: {  	[spmem:s2] =	stream.indirect.scatter.add.f32 [tilespmem:s8], [sflag:$0x3], $0x20, s1, s7, $0xb8;
	[tilespmem:$0x17800] =	vst v63  }
0x26a: {  	s31 =	rddreg [dreg:$0x16]  }
0x26b: {  	[spmem:s2] =	stream.indirect.scatter.add.f32 [tilespmem:s18], [sflag:$0x3], $0x20, s31, s7, $0xb8;
	[tilespmem:$0x17800] =	vst v63  }
0x26c: {  	s0 =	rddreg [dreg:$0x17]  }
0x26d: {  	[spmem:s2] =	stream.indirect.scatter.add.f32 [tilespmem:s20], [sflag:$0x3], $0x20, s0, s7, $0xb8;
	[tilespmem:$0x17800] =	vst v63  }
0x26e: {  	s31 =	rddreg [dreg:$0x18]  }
0x26f: {  	[spmem:s2] =	stream.indirect.scatter.add.f32 [tilespmem:s22], [sflag:$0x3], $0x20, s31, s7, $0xb8;
	[tilespmem:$0x17800] =	vst v63  }
0x270: {  	s0 =	rddreg [dreg:$0x19]  }
0x271: {  	[spmem:s2] =	stream.indirect.scatter.add.f32 [tilespmem:s23], [sflag:$0x3], $0x20, s0, s7, $0xb8;
	[tilespmem:$0x17800] =	vst v63  }
0x272: {  	s31 =	rddreg [dreg:$0x1a]  }
0x273: {  	[spmem:s2] =	stream.indirect.scatter.add.f32 [tilespmem:s24], [sflag:$0x3], $0x20, s31, s7, $0xb8;
	[tilespmem:$0x17800] =	vst v63  }
0x274: {  	s0 =	rddreg [dreg:$0x1b]  }
0x275: {  	[spmem:s2] =	stream.indirect.scatter.add.f32 [tilespmem:s25], [sflag:$0x3], $0x20, s0, s7, $0xb8;
	[tilespmem:$0x17800] =	vst v63  }
0x276: {  	s31 =	rddreg [dreg:$0x1c]  }
0x277: {  	[spmem:s2] =	stream.indirect.scatter.add.f32 [tilespmem:s26], [sflag:$0x3], $0x20, s31, s7, $0xb8;
	[tilespmem:$0x17800] =	vst v63  }
0x278: {  	_ =	swait.ge [sflag:s9], $0x8000  }
0x279: {  	[sflag:s9] =	ssyncset.done $0x0  }
0x27a: {  	s31 =	rddreg [dreg:$0x8];
	[sflag:s9] =	ssyncadd.s32 $0xFFFF8000  }
0x27b: {  	[tilespmem:s8], [sflag:$0x2] =	stream.linear.gather [hbm4b:s31+s3], $0x8000, $0x38;
	[tilespmem:$0x17800] =	vst v63  }
0x27c: {  	_ =	swait.ge [sflag:s11], $0x8000  }
0x27d: {  	s1 =	rddreg [dreg:$0x1d];
	[sflag:s11] =	ssyncset.done $0x0  }
0x27e: {  	s31 =	rddreg [dreg:$0x1e];
	[sflag:s11] =	ssyncadd.s32 $0xFFFF8000  }
0x27f: {  	[spmem:s2] =	stream.indirect.scatter.add.f32 [tilespmem:s10], [sflag:$0x3], $0x20, s1, s7, $0xb8;
	[tilespmem:$0x17800] =	vst v63  }
0x280: {  	s0 =	rddreg [dreg:$0x1f]  }
0x281: {  	[spmem:s2] =	stream.indirect.scatter.add.f32 [tilespmem:s12], [sflag:$0x3], $0x20, s31, s7, $0xb8;
	[tilespmem:$0x17800] =	vst v63  }
0x282: {  	s31 =	sld [smem:$0x7C4]  }
0x283: {  	[spmem:s2] =	stream.indirect.scatter.add.f32 [tilespmem:s13], [sflag:$0x3], $0x20, s0, s7, $0xb8;
	[tilespmem:$0x17800] =	vst v63  }
0x284: {  	s0 =	sld [smem:$0x7C5]  }
0x285: {  	[spmem:s2] =	stream.indirect.scatter.add.f32 [tilespmem:s14], [sflag:$0x3], $0x20, s31, s7, $0xb8;
	[tilespmem:$0x17800] =	vst v63  }
0x286: {  	s31 =	sld [smem:$0x7C6]  }
0x287: {  	[spmem:s2] =	stream.indirect.scatter.add.f32 [tilespmem:s15], [sflag:$0x3], $0x20, s0, s7, $0xb8;
	[tilespmem:$0x17800] =	vst v63  }
0x288: {  	s0 =	sld [smem:$0x7C7]  }
0x289: {  	[spmem:s2] =	stream.indirect.scatter.add.f32 [tilespmem:s16], [sflag:$0x3], $0x20, s31, s7, $0xb8;
	[tilespmem:$0x17800] =	vst v63  }
0x28a: {  	s31 =	sld [smem:$0x7C8]  }
0x28b: {  	[spmem:s2] =	stream.indirect.scatter.add.f32 [tilespmem:s17], [sflag:$0x3], $0x20, s0, s7, $0xb8;
	[tilespmem:$0x17800] =	vst v63  }
0x28c: {  	_ = 	snop  }
0x28d: {  	[spmem:s2] =	stream.indirect.scatter.add.f32 [tilespmem:s21], [sflag:$0x3], $0x20, s31, s7, $0xb8;
	[tilespmem:$0x17800] =	vst v63  }
0x28e: {  	_ =	swait.ge [sflag:s9], $0x8000  }
0x28f: {  	[sflag:s9] =	ssyncset.done $0x0  }
0x290: {  	s31 =	rddreg [dreg:$0x9];
	[sflag:s9] =	ssyncadd.s32 $0xFFFF8000  }
0x291: {  	[tilespmem:s10], [sflag:$0x1] =	stream.linear.gather [hbm4b:s31+s3], $0x8000, $0x38;
	[tilespmem:$0x17800] =	vst v63  }
0x292: {  	_ =	swait.ge [sflag:s19], $0x8000  }
0x293: {  	s1 =	sld [smem:$0x7C9]  }
0x294: {  	[sflag:s19] =	ssyncset.done $0x0  }
0x295: {  	s31 =	sld [smem:$0x7CA];
	[sflag:s19] =	ssyncadd.s32 $0xFFFF8000  }
0x296: {  	[spmem:s2] =	stream.indirect.scatter.add.f32 [tilespmem:s8], [sflag:$0x3], $0x20, s1, s7, $0xb8;
	[tilespmem:$0x17800] =	vst v63  }
0x297: {  	s0 =	sld [smem:$0x7CB]  }
0x298: {  	[spmem:s2] =	stream.indirect.scatter.add.f32 [tilespmem:s18], [sflag:$0x3], $0x20, s31, s7, $0xb8;
	[tilespmem:$0x17800] =	vst v63  }
0x299: {  	s31 =	sld [smem:$0x7CC]  }
0x29a: {  	[spmem:s2] =	stream.indirect.scatter.add.f32 [tilespmem:s20], [sflag:$0x3], $0x20, s0, s7, $0xb8;
	[tilespmem:$0x17800] =	vst v63  }
0x29b: {  	s0 =	sld [smem:$0x7CD]  }
0x29c: {  	[spmem:s2] =	stream.indirect.scatter.add.f32 [tilespmem:s22], [sflag:$0x3], $0x20, s31, s7, $0xb8;
	[tilespmem:$0x17800] =	vst v63  }
0x29d: {  	s31 =	sld [smem:$0x7CE]  }
0x29e: {  	[spmem:s2] =	stream.indirect.scatter.add.f32 [tilespmem:s23], [sflag:$0x3], $0x20, s0, s7, $0xb8;
	[tilespmem:$0x17800] =	vst v63  }
0x29f: {  	s0 =	sld [smem:$0x7CF]  }
0x2a0: {  	[spmem:s2] =	stream.indirect.scatter.add.f32 [tilespmem:s24], [sflag:$0x3], $0x20, s31, s7, $0xb8;
	[tilespmem:$0x17800] =	vst v63  }
0x2a1: {  	s31 =	sld [smem:$0x7D0]  }
0x2a2: {  	[spmem:s2] =	stream.indirect.scatter.add.f32 [tilespmem:s25], [sflag:$0x3], $0x20, s0, s7, $0xb8;
	[tilespmem:$0x17800] =	vst v63  }
0x2a3: {  	_ = 	snop  }
0x2a4: {  	[spmem:s2] =	stream.indirect.scatter.add.f32 [tilespmem:s26], [sflag:$0x3], $0x20, s31, s7, $0xb8;
	[tilespmem:$0x17800] =	vst v63  }
0x2a5: {  	_ =	swait.ge [sflag:s9], $0x8000  }
0x2a6: {  	[sflag:s9] =	ssyncset.done $0x0  }
0x2a7: {  	s31 =	rddreg [dreg:$0xa];
	[sflag:s9] =	ssyncadd.s32 $0xFFFF8000  }
0x2a8: {  	[tilespmem:s8], [sflag:$0x2] =	stream.linear.gather [hbm4b:s31+s3], $0x8000, $0x38;
	[tilespmem:$0x17800] =	vst v63  }
0x2a9: {  	_ =	swait.ge [sflag:s11], $0x8000  }
0x2aa: {  	s1 =	sld [smem:$0x7D1]  }
0x2ab: {  	[sflag:s11] =	ssyncset.done $0x0  }
0x2ac: {  	s31 =	sld [smem:$0x7D2];
	[sflag:s11] =	ssyncadd.s32 $0xFFFF8000  }
0x2ad: {  	[spmem:s2] =	stream.indirect.scatter.add.f32 [tilespmem:s10], [sflag:$0x3], $0x20, s1, s7, $0xb8;
	[tilespmem:$0x17800] =	vst v63  }
0x2ae: {  	s0 =	sld [smem:$0x7D3]  }
0x2af: {  	[spmem:s2] =	stream.indirect.scatter.add.f32 [tilespmem:s12], [sflag:$0x3], $0x20, s31, s7, $0xb8;
	[tilespmem:$0x17800] =	vst v63  }
0x2b0: {  	s31 =	sld [smem:$0x7D4]  }
0x2b1: {  	[spmem:s2] =	stream.indirect.scatter.add.f32 [tilespmem:s13], [sflag:$0x3], $0x20, s0, s7, $0xb8;
	[tilespmem:$0x17800] =	vst v63  }
0x2b2: {  	s0 =	sld [smem:$0x7D5]  }
0x2b3: {  	[spmem:s2] =	stream.indirect.scatter.add.f32 [tilespmem:s14], [sflag:$0x3], $0x20, s31, s7, $0xb8;
	[tilespmem:$0x17800] =	vst v63  }
0x2b4: {  	s31 =	sld [smem:$0x7D6]  }
0x2b5: {  	[spmem:s2] =	stream.indirect.scatter.add.f32 [tilespmem:s15], [sflag:$0x3], $0x20, s0, s7, $0xb8;
	[tilespmem:$0x17800] =	vst v63  }
0x2b6: {  	s0 =	sld [smem:$0x7D7]  }
0x2b7: {  	[spmem:s2] =	stream.indirect.scatter.add.f32 [tilespmem:s16], [sflag:$0x3], $0x20, s31, s7, $0xb8;
	[tilespmem:$0x17800] =	vst v63  }
0x2b8: {  	s31 =	sld [smem:$0x7D8]  }
0x2b9: {  	[spmem:s2] =	stream.indirect.scatter.add.f32 [tilespmem:s17], [sflag:$0x3], $0x20, s0, s7, $0xb8;
	[tilespmem:$0x17800] =	vst v63  }
0x2ba: {  	_ = 	snop  }
0x2bb: {  	[spmem:s2] =	stream.indirect.scatter.add.f32 [tilespmem:s21], [sflag:$0x3], $0x20, s31, s7, $0xb8;
	[tilespmem:$0x17800] =	vst v63  }
0x2bc: {  	_ =	swait.ge [sflag:s9], $0x8000  }
0x2bd: {  	[sflag:s9] =	ssyncset.done $0x0  }
0x2be: {  	s31 =	rddreg [dreg:$0xb];
	[sflag:s9] =	ssyncadd.s32 $0xFFFF8000  }
0x2bf: {  	[tilespmem:s10], [sflag:$0x1] =	stream.linear.gather [hbm4b:s31+s3], $0x8000, $0x38;
	[tilespmem:$0x17800] =	vst v63  }
0x2c0: {  	_ =	swait.ge [sflag:s19], $0x8000  }
0x2c1: {  	s1 =	sld [smem:$0x7D9]  }
0x2c2: {  	[sflag:s19] =	ssyncset.done $0x0  }
0x2c3: {  	s31 =	sld [smem:$0x7DA];
	[sflag:s19] =	ssyncadd.s32 $0xFFFF8000  }
0x2c4: {  	[spmem:s2] =	stream.indirect.scatter.add.f32 [tilespmem:s8], [sflag:$0x3], $0x20, s1, s7, $0xb8;
	[tilespmem:$0x17800] =	vst v63  }
0x2c5: {  	s0 =	sld [smem:$0x7DB]  }
0x2c6: {  	[spmem:s2] =	stream.indirect.scatter.add.f32 [tilespmem:s18], [sflag:$0x3], $0x20, s31, s7, $0xb8;
	[tilespmem:$0x17800] =	vst v63  }
0x2c7: {  	s31 =	sld [smem:$0x7DC]  }
0x2c8: {  	[spmem:s2] =	stream.indirect.scatter.add.f32 [tilespmem:s20], [sflag:$0x3], $0x20, s0, s7, $0xb8;
	[tilespmem:$0x17800] =	vst v63  }
0x2c9: {  	s0 =	sld [smem:$0x7DD]  }
0x2ca: {  	[spmem:s2] =	stream.indirect.scatter.add.f32 [tilespmem:s22], [sflag:$0x3], $0x20, s31, s7, $0xb8;
	[tilespmem:$0x17800] =	vst v63  }
0x2cb: {  	s31 =	sld [smem:$0x7DE]  }
0x2cc: {  	[spmem:s2] =	stream.indirect.scatter.add.f32 [tilespmem:s23], [sflag:$0x3], $0x20, s0, s7, $0xb8;
	[tilespmem:$0x17800] =	vst v63  }
0x2cd: {  	s0 =	sld [smem:$0x7DF]  }
0x2ce: {  	[spmem:s2] =	stream.indirect.scatter.add.f32 [tilespmem:s24], [sflag:$0x3], $0x20, s31, s7, $0xb8;
	[tilespmem:$0x17800] =	vst v63  }
0x2cf: {  	s31 =	sld [smem:$0x7E0]  }
0x2d0: {  	[spmem:s2] =	stream.indirect.scatter.add.f32 [tilespmem:s25], [sflag:$0x3], $0x20, s0, s7, $0xb8;
	[tilespmem:$0x17800] =	vst v63  }
0x2d1: {  	_ = 	snop  }
0x2d2: {  	[spmem:s2] =	stream.indirect.scatter.add.f32 [tilespmem:s26], [sflag:$0x3], $0x20, s31, s7, $0xb8;
	[tilespmem:$0x17800] =	vst v63  }
0x2d3: {  	_ =	swait.ge [sflag:s9], $0x8000  }
0x2d4: {  	[sflag:s9] =	ssyncset.done $0x0  }
0x2d5: {  	s31 =	rddreg [dreg:$0xc];
	[sflag:s9] =	ssyncadd.s32 $0xFFFF8000  }
0x2d6: {  	[tilespmem:s8], [sflag:$0x2] =	stream.linear.gather [hbm4b:s31+s3], $0x8000, $0x38;
	[tilespmem:$0x17800] =	vst v63  }
0x2d7: {  	_ =	swait.ge [sflag:s11], $0x8000  }
0x2d8: {  	s1 =	sld [smem:$0x7E1]  }
0x2d9: {  	[sflag:s11] =	ssyncset.done $0x0  }
0x2da: {  	s31 =	sld [smem:$0x7E2];
	[sflag:s11] =	ssyncadd.s32 $0xFFFF8000  }
0x2db: {  	[spmem:s2] =	stream.indirect.scatter.add.f32 [tilespmem:s10], [sflag:$0x3], $0x20, s1, s7, $0xb8;
	[tilespmem:$0x17800] =	vst v63  }
0x2dc: {  	s0 =	sld [smem:$0x7E3]  }
0x2dd: {  	[spmem:s2] =	stream.indirect.scatter.add.f32 [tilespmem:s12], [sflag:$0x3], $0x20, s31, s7, $0xb8;
	[tilespmem:$0x17800] =	vst v63  }
0x2de: {  	s31 =	sld [smem:$0x7E4]  }
0x2df: {  	[spmem:s2] =	stream.indirect.scatter.add.f32 [tilespmem:s13], [sflag:$0x3], $0x20, s0, s7, $0xb8;
	[tilespmem:$0x17800] =	vst v63  }
0x2e0: {  	s0 =	sld [smem:$0x7E5]  }
0x2e1: {  	[spmem:s2] =	stream.indirect.scatter.add.f32 [tilespmem:s14], [sflag:$0x3], $0x20, s31, s7, $0xb8;
	[tilespmem:$0x17800] =	vst v63  }
0x2e2: {  	s31 =	sld [smem:$0x7E6]  }
0x2e3: {  	[spmem:s2] =	stream.indirect.scatter.add.f32 [tilespmem:s15], [sflag:$0x3], $0x20, s0, s7, $0xb8;
	[tilespmem:$0x17800] =	vst v63  }
0x2e4: {  	s0 =	sld [smem:$0x7E7]  }
0x2e5: {  	[spmem:s2] =	stream.indirect.scatter.add.f32 [tilespmem:s16], [sflag:$0x3], $0x20, s31, s7, $0xb8;
	[tilespmem:$0x17800] =	vst v63  }
0x2e6: {  	s31 =	sld [smem:$0x7E8]  }
0x2e7: {  	[spmem:s2] =	stream.indirect.scatter.add.f32 [tilespmem:s17], [sflag:$0x3], $0x20, s0, s7, $0xb8;
	[tilespmem:$0x17800] =	vst v63  }
0x2e8: {  	_ = 	snop  }
0x2e9: {  	[spmem:s2] =	stream.indirect.scatter.add.f32 [tilespmem:s21], [sflag:$0x3], $0x20, s31, s7, $0xb8;
	[tilespmem:$0x17800] =	vst v63  }
0x2ea: {  	_ =	swait.ge [sflag:s9], $0x8000  }
0x2eb: {  	[sflag:s9] =	ssyncset.done $0x0  }
0x2ec: {  	s31 =	rddreg [dreg:$0xd];
	[sflag:s9] =	ssyncadd.s32 $0xFFFF8000  }
0x2ed: {  	[tilespmem:s10], [sflag:$0x1] =	stream.linear.gather [hbm4b:s31+s3], $0x8000, $0x38;
	[tilespmem:$0x17800] =	vst v63  }
0x2ee: {  	_ =	swait.ge [sflag:s19], $0x8000  }
0x2ef: {  	s1 =	sld [smem:$0x7E9]  }
0x2f0: {  	[sflag:s19] =	ssyncset.done $0x0  }
0x2f1: {  	s31 =	sld [smem:$0x7EA];
	[sflag:s19] =	ssyncadd.s32 $0xFFFF8000  }
0x2f2: {  	[spmem:s2] =	stream.indirect.scatter.add.f32 [tilespmem:s8], [sflag:$0x3], $0x20, s1, s7, $0xb8;
	[tilespmem:$0x17800] =	vst v63  }
0x2f3: {  	s0 =	sld [smem:$0x7EB]  }
0x2f4: {  	[spmem:s2] =	stream.indirect.scatter.add.f32 [tilespmem:s18], [sflag:$0x3], $0x20, s31, s7, $0xb8;
	[tilespmem:$0x17800] =	vst v63  }
0x2f5: {  	s31 =	sld [smem:$0x7EC]  }
0x2f6: {  	[spmem:s2] =	stream.indirect.scatter.add.f32 [tilespmem:s20], [sflag:$0x3], $0x20, s0, s7, $0xb8;
	[tilespmem:$0x17800] =	vst v63  }
0x2f7: {  	s0 =	sld [smem:$0x7ED]  }
0x2f8: {  	[spmem:s2] =	stream.indirect.scatter.add.f32 [tilespmem:s22], [sflag:$0x3], $0x20, s31, s7, $0xb8;
	[tilespmem:$0x17800] =	vst v63  }
0x2f9: {  	s31 =	sld [smem:$0x7EE]  }
0x2fa: {  	[spmem:s2] =	stream.indirect.scatter.add.f32 [tilespmem:s23], [sflag:$0x3], $0x20, s0, s7, $0xb8;
	[tilespmem:$0x17800] =	vst v63  }
0x2fb: {  	s0 =	sld [smem:$0x7EF]  }
0x2fc: {  	[spmem:s2] =	stream.indirect.scatter.add.f32 [tilespmem:s24], [sflag:$0x3], $0x20, s31, s7, $0xb8;
	[tilespmem:$0x17800] =	vst v63  }
0x2fd: {  	s31 =	sld [smem:$0x7F0]  }
0x2fe: {  	[spmem:s2] =	stream.indirect.scatter.add.f32 [tilespmem:s25], [sflag:$0x3], $0x20, s0, s7, $0xb8;
	[tilespmem:$0x17800] =	vst v63  }
0x2ff: {  	_ = 	snop  }
0x300: {  	[spmem:s2] =	stream.indirect.scatter.add.f32 [tilespmem:s26], [sflag:$0x3], $0x20, s31, s7, $0xb8;
	[tilespmem:$0x17800] =	vst v63  }
0x301: {  	_ =	swait.ge [sflag:s9], $0x8000  }
0x302: {  	[sflag:s9] =	ssyncset.done $0x0  }
0x303: {  	s1 =	rddreg [dreg:$0xe];
	[sflag:s9] =	ssyncadd.s32 $0xFFFF8000  }
0x304: {  	[tilespmem:s8], [sflag:$0x2] =	stream.linear.gather [hbm4b:s1+s3], $0x8000, $0x38;
	[tilespmem:$0x17800] =	vst v63  }
0x305: {  	_ =	swait.ge [sflag:s11], $0x8000  }
0x306: {  	s3 =	sld [smem:$0x7F1]  }
0x307: {  	[sflag:s11] =	ssyncset.done $0x0  }
0x308: {  	s31 =	sld [smem:$0x7F2];
	[sflag:s11] =	ssyncadd.s32 $0xFFFF8000  }
0x309: {  	[spmem:s2] =	stream.indirect.scatter.add.f32 [tilespmem:s10], [sflag:$0x3], $0x20, s3, s7, $0xb8;
	[tilespmem:$0x17800] =	vst v63  }
0x30a: {  	s3 =	sld [smem:$0x7F3]  }
0x30b: {  	[spmem:s2] =	stream.indirect.scatter.add.f32 [tilespmem:s12], [sflag:$0x3], $0x20, s31, s7, $0xb8;
	[tilespmem:$0x17800] =	vst v63  }
0x30c: {  	s10 =	sld [smem:$0x7F4]  }
0x30d: {  	[spmem:s2] =	stream.indirect.scatter.add.f32 [tilespmem:s13], [sflag:$0x3], $0x20, s3, s7, $0xb8;
	[tilespmem:$0x17800] =	vst v63  }
0x30e: {  	s11 =	sld [smem:$0x7F5]  }
0x30f: {  	[spmem:s2] =	stream.indirect.scatter.add.f32 [tilespmem:s14], [sflag:$0x3], $0x20, s10, s7, $0xb8;
	[tilespmem:$0x17800] =	vst v63  }
0x310: {  	s12 =	sld [smem:$0x7F6]  }
0x311: {  	[spmem:s2] =	stream.indirect.scatter.add.f32 [tilespmem:s15], [sflag:$0x3], $0x20, s11, s7, $0xb8;
	[tilespmem:$0x17800] =	vst v63  }
0x312: {  	s13 =	sld [smem:$0x7F7]  }
0x313: {  	[spmem:s2] =	stream.indirect.scatter.add.f32 [tilespmem:s16], [sflag:$0x3], $0x20, s12, s7, $0xb8;
	[tilespmem:$0x17800] =	vst v63  }
0x314: {  	s14 =	sld [smem:$0x7F8]  }
0x315: {  	[spmem:s2] =	stream.indirect.scatter.add.f32 [tilespmem:s17], [sflag:$0x3], $0x20, s13, s7, $0xb8;
	[tilespmem:$0x17800] =	vst v63  }
0x316: {  	_ = 	snop  }
0x317: {  	[spmem:s2] =	stream.indirect.scatter.add.f32 [tilespmem:s21], [sflag:$0x3], $0x20, s14, s7, $0xb8;
	[tilespmem:$0x17800] =	vst v63  }
0x318: {  	_ =	swait.ge [sflag:s9], $0x8000  }
0x319: {  	[sflag:s9] =	ssyncset.done $0x0  }
0x31a: {  	[sflag:s9] =	ssyncadd.s32 $0xFFFF8000  }
0x31b: {  	_ =	swait.ge [sflag:s19], $0x8000  }
0x31c: {  	s15 =	sld [smem:$0x7F9]  }
0x31d: {  	[sflag:s19] =	ssyncset.done $0x0  }
0x31e: {  	s16 =	sld [smem:$0x7FA];
	[sflag:s19] =	ssyncadd.s32 $0xFFFF8000  }
0x31f: {  	[spmem:s2] =	stream.indirect.scatter.add.f32 [tilespmem:s8], [sflag:$0x3], $0x20, s15, s7, $0xb8;
	[tilespmem:$0x17800] =	vst v63  }
0x320: {  	s17 =	sld [smem:$0x7FB]  }
0x321: {  	[spmem:s2] =	stream.indirect.scatter.add.f32 [tilespmem:s18], [sflag:$0x3], $0x20, s16, s7, $0xb8;
	[tilespmem:$0x17800] =	vst v63  }
0x322: {  	s19 =	sld [smem:$0x7FC]  }
0x323: {  	[spmem:s2] =	stream.indirect.scatter.add.f32 [tilespmem:s20], [sflag:$0x3], $0x20, s17, s7, $0xb8;
	[tilespmem:$0x17800] =	vst v63  }
0x324: {  	s21 =	sld [smem:$0x7FD]  }
0x325: {  	[spmem:s2] =	stream.indirect.scatter.add.f32 [tilespmem:s22], [sflag:$0x3], $0x20, s19, s7, $0xb8;
	[tilespmem:$0x17800] =	vst v63  }
0x326: {  	_ = 	snop  }
0x327: {  	[spmem:s2] =	stream.indirect.scatter.add.f32 [tilespmem:s23], [sflag:$0x3], $0x20, s21, s7, $0xb8;
	[tilespmem:$0x17800] =	vst v63  }
0x328: {  	_ = 	snop  }
0x329: {  	[spmem:s2] =	stream.indirect.scatter.add.f32 [tilespmem:s24], [sflag:$0x3], $0x20, s29, s7, $0xb8;
	[tilespmem:$0x17800] =	vst v63  }
0x32a: {  	_ = 	snop  }
0x32b: {  	[spmem:s2] =	stream.indirect.scatter.add.f32 [tilespmem:s25], [sflag:$0x3], $0x20, s30, s7, $0xb8;
	[tilespmem:$0x17800] =	vst v63  }
0x32c: {  	s30 =	simm.s32 $0x2780  }
0x32d: {  	[spmem:s2] =	stream.indirect.scatter.add.f32 [tilespmem:s26], [sflag:$0x3], $0x20, s30, s7, $0xb8;
	[tilespmem:$0x17800] =	vst v63  }
0x32e: {  	_ =	swait.ge [sflag:s9], $0x8000  }
0x32f: {  	[sflag:s9] =	ssyncset.done $0x0  }
0x330: {  	[sflag:s9] =	ssyncadd.s32 $0xFFFF8000  }
0x331: {  	[bflag:$0x0] =	sbarrier.arrive $0xFFFF  }
0x332: {  	s31 =	rddreg [dreg:$0x6]  }
0x333: {  	[hbm:s31], [sflag:s4] =	dma.local [spmem:s5], $0xA00  }
0x334: {  	_ =	swait.ge [sflag:s6], $0xA00  }
0x335: {  	[sflag:s6] =	ssyncset.done $0x0  }
0x336: {  	[sflag:s6] =	ssyncadd.s32 $0xFFFFF600  }
0x337: {  	_ =	sfence.sel $0x180000  }
0x338: {  	[bflag:$0x0] =	sbarrier.arrive $0xFFFF  }
0x339: {  	_ =	strace $0x90000047  }
0x33a: {  	[bflag:$0x2] =	sbarrier.arrive $0xFFFF  }
0x33b: {  	p0 =	sne.s32 s28, $0x0;
	s0 =	rddreg [dreg:$0x2]  }
0x33c: {  	s0 =	sadd.s32 @!p0 $0x100000, s0  }
0x33d: {  	[sflag:s0] =	ssyncadd.tile.s32 @!p0 $0x1;
	_ =	shalt  }
.LBB2_1:
.Ltmp3:
0x33e: {  	(pc) =	sbr.rel .LBB2_6-.Ltmp3, $2  }
0x33f: {  	_ =	sdelay $0x2  }
0x340: {  	s30 =	simm.s32 $0x2700;
	s29 =	simm.s32 $0x2680  }
.LBB2_3:
.Ltmp4:
0x341: {  	(pc) =	sbr.rel .LBB2_6-.Ltmp4, $2  }
0x342: {  	_ =	sdelay $0x2  }
0x343: {  	s30 =	simm.s32 $0x2700;
	s29 =	simm.s32 $0x2680;
	s28 =	stileid.u32  }
.Lfunc_end2:
_tile_overlayer_lowered:
.L_overlay_start_2:
0x344: {  	(tag) =	ssettag $0x2  }
0x345: {  	s0 =	rddreg [dreg:$0x0];
	s2 =	stileid.u32  }
0x346: {  	s1 =	rddreg [dreg:$0x1];
	p0 =	sne.s32 s2, $0x0  }
0x347: {  	s3 =	rddreg [dreg:$0x2];
	[bflag:$0x3] =	sbarrier.arrive $0xFFFF;
	s2 =	simm.s32 @!p0 $0x1C04  }
0x348: {  	[timem:s3], [sflag:s2] =	dma.local @!p0 [hbm:s0], s1  }
0x349: {  	s0 =	simm.s32 @!p0 $0x4  }
0x34a: {  	_ =	swait.ge @!p0 [sflag:s0], s1  }
0x34b: {  	s1 =	ssub.s32 @!p0 $0x0, s1;
	[sflag:s0] =	ssyncset.done @!p0 $0x0  }
0x34c: {  	[sflag:s0] =	ssyncadd.s32 @!p0 s1  }
0x34d: {  	[bflag:$0x3] =	sbarrier.arrive $0xFFFF  }
0x34e: {  	_ =	shalt  }

</sc_bundles>
